<compile_context>
chip_gen: v7x
topology: tpu7x:2x2x1
jax: 0.10.2.dev20260603
libtpu: 0.0.44.dev20260713+nightly
codegen_flags: <defaults>
</compile_context>

<pallas_src>
import jax
import jax.numpy as jnp
from jax import lax
from jax.experimental import pallas as pl
from jax.experimental.pallas import tpu as pltpu

_C = 21
_TOPK = 400
_NMS_T = 0.45
_ARM_VAR = (0.1, 0.2)
_ODM_VAR = (0.1, 0.2)
_POS_T = 0.01
_CONF_T = 0.01
_LANES = 128


def _sm(x):
    m = x.max(axis=-1, keepdims=True)
    e = jnp.exp(x - m)
    return e / e.sum(axis=-1, keepdims=True)


def _nms_body(score_ref, x1_ref, y1_ref, x2_ref, y2_ref, pidx_ref,
              outs_ref, ox1_ref, oy1_ref, ox2_ref, oy2_ref,
              act_ref, area_ref):
    score0 = score_ref[...]
    x1s = x1_ref[...]
    y1s = y1_ref[...]
    x2s = x2_ref[...]
    y2s = y2_ref[...]
    act_ref[...] = jnp.where(score0 > 0.0, 1.0, 0.0)
    area_ref[...] = (x2s - x1s) * (y2s - y1s)
    zeros = jnp.zeros_like(score0)
    outs_ref[...] = zeros
    ox1_ref[...] = zeros
    oy1_ref[...] = zeros
    ox2_ref[...] = zeros
    oy2_ref[...] = zeros

    def body(t, carry):
        act = act_ref[...] > 0.5
        score = score_ref[...]
        x1 = x1_ref[...]
        y1 = y1_ref[...]
        x2 = x2_ref[...]
        y2 = y2_ref[...]
        area = area_ref[...]
        pidx = pidx_ref[...]
        ms = jnp.where(act, score, -1.0)
        m = jnp.max(ms, axis=0, keepdims=True)
        has = m > 0.0
        cand = act & (score == m)
        tie = jnp.where(cand, pidx, -1.0)
        pmax = jnp.max(tie, axis=0, keepdims=True)
        onehot = cand & (pidx == pmax)
        oh = jnp.where(onehot, 1.0, 0.0)
        px1 = jnp.sum(oh * x1, axis=0, keepdims=True)
        py1 = jnp.sum(oh * y1, axis=0, keepdims=True)
        px2 = jnp.sum(oh * x2, axis=0, keepdims=True)
        py2 = jnp.sum(oh * y2, axis=0, keepdims=True)
        parea = jnp.sum(oh * area, axis=0, keepdims=True)
        xx1 = jnp.maximum(x1, px1)
        yy1 = jnp.maximum(y1, py1)
        xx2 = jnp.minimum(x2, px2)
        yy2 = jnp.minimum(y2, py2)
        w = jnp.clip(xx2 - xx1, 0.0, None)
        h = jnp.clip(yy2 - yy1, 0.0, None)
        inter = w * h
        union = (area - inter) + parea
        iou = inter / union
        keep = act & (iou <= _NMS_T) & jnp.logical_not(onehot)
        act_ref[...] = jnp.where(keep, 1.0, 0.0)
        outs_ref[pl.ds(t, 1), :] = jnp.where(has, m, 0.0)
        ox1_ref[pl.ds(t, 1), :] = jnp.where(has, px1, 0.0)
        oy1_ref[pl.ds(t, 1), :] = jnp.where(has, py1, 0.0)
        ox2_ref[pl.ds(t, 1), :] = jnp.where(has, px2, 0.0)
        oy2_ref[pl.ds(t, 1), :] = jnp.where(has, py2, 0.0)
        return carry

    lax.fori_loop(0, _TOPK, body, 0)


def _thresh_body(masked_ref, tau_ref, jcut_ref):
    v = masked_ref[...]
    kb = jax.lax.bitcast_convert_type(v, jnp.uint32)
    key = jnp.where(v < 0.0, ~kb, kb | jnp.uint32(0x80000000))
    rows = v.shape[0]
    idx = lax.broadcasted_iota(jnp.int32, v.shape, 1)

    def cnt_ge(cand):
        return jnp.sum((key >= cand).astype(jnp.float32), axis=1, keepdims=True)

    def bit_body(i, cur):
        bit = 31 - i
        cand = cur | (jnp.uint32(1) << bit)
        return jnp.where(cnt_ge(cand) >= float(_TOPK), cand, cur)

    cur = lax.fori_loop(0, 32, bit_body, jnp.zeros((rows, 1), jnp.uint32))

    n_gt = jnp.sum((key > cur).astype(jnp.float32), axis=1, keepdims=True)
    r = float(_TOPK) - n_gt
    is_tie = key == cur

    def jbit_body(i, jcur):
        bit = 14 - i
        jcand = jcur | (jnp.int32(1) << bit)
        cnt = jnp.sum((is_tie & (idx >= jcand)).astype(jnp.float32), axis=1,
                      keepdims=True)
        return jnp.where(cnt >= r, jcand, jcur)

    jcur = lax.fori_loop(0, 15, jbit_body, jnp.zeros((rows, 1), jnp.int32))

    tau_bits = jnp.where((cur >> 31) > 0, cur ^ jnp.uint32(0x80000000), ~cur)
    tau = jax.lax.bitcast_convert_type(tau_bits, jnp.float32)
    tau_ref[...] = jnp.broadcast_to(tau, (rows, 16))
    jcut_ref[...] = jnp.broadcast_to(jcur, (rows, 16))


def _run_thresh(masked_pad):
    rows = masked_pad.shape[0]
    return pl.pallas_call(
        _thresh_body,
        out_shape=[jax.ShapeDtypeStruct((rows, 16), jnp.float32),
                   jax.ShapeDtypeStruct((rows, 16), jnp.int32)],
    )(masked_pad)


def _run_nms(score_t, x1_t, y1_t, x2_t, y2_t, pidx_t):
    shp = jax.ShapeDtypeStruct((_TOPK, _LANES), jnp.float32)
    return pl.pallas_call(
        _nms_body,
        out_shape=[shp] * 5,
        scratch_shapes=[pltpu.VMEM((_TOPK, _LANES), jnp.float32)] * 2,
    )(score_t, x1_t, y1_t, x2_t, y2_t, pidx_t)


def kernel(arm_loc_data, arm_conf_data, odm_loc_data, odm_conf_data, prior_data):
    num, P, _ = arm_loc_data.shape
    nc = _C - 1
    npb = num * nc

    arm_score = _sm(arm_conf_data)
    score = _sm(odm_conf_data)
    centers = prior_data[None, :, :2] + arm_loc_data[:, :, :2] * _ARM_VAR[0] * prior_data[None, :, 2:]
    wh = prior_data[None, :, 2:] * jnp.exp(arm_loc_data[:, :, 2:] * _ARM_VAR[1])
    refined = jnp.concatenate([centers, wh], axis=2)
    xy = refined[..., :2] + odm_loc_data[..., :2] * _ODM_VAR[0] * refined[..., 2:]
    bwh = refined[..., 2:] * jnp.exp(odm_loc_data[..., 2:] * _ODM_VAR[1])
    x1y1 = xy - bwh / 2.0
    x2y2 = bwh + x1y1
    all_boxes = jnp.concatenate([x1y1, x2y2], axis=-1)

    flag = arm_score[:, :, 1] > _POS_T
    cls_scores = jnp.transpose(score, (0, 2, 1))[:, 1:, :]
    valid = flag[:, None, :] & (cls_scores > _CONF_T)
    masked = jnp.where(valid, cls_scores, -1.0).reshape(npb, P)

    masked_pad = jnp.pad(masked, ((0, 0), (0, 16384 - P)), constant_values=-2.0)
    tau16, jcut16 = _run_thresh(masked_pad)
    tau = tau16[:, :1]
    jcut = jcut16[:, :1]

    pidx_row = jnp.arange(16384, dtype=jnp.int32)[None, :]
    sel = (masked_pad > tau) | ((masked_pad == tau) & (pidx_row >= jcut))
    sel3 = sel.reshape(npb, 128, 128)
    lane16 = jnp.arange(128, dtype=jnp.uint16)
    key = jnp.where(sel3, lane16[None, None, :],
                    jnp.uint16(1000) + lane16[None, None, :])
    sk = jnp.sort(key, axis=2)
    bc = sel3.sum(axis=2, dtype=jnp.int32)
    boff = jnp.concatenate([jnp.zeros((npb, 1), jnp.int32),
                            jnp.cumsum(bc, axis=1)[:, :-1]], axis=1)
    s_ids = jnp.arange(_TOPK, dtype=jnp.int32)
    le = boff[:, None, :] <= s_ids[None, :, None]
    bos = le.sum(axis=2).astype(jnp.int32) - 1
    boff_at_bos = jnp.max(jnp.where(le, boff[:, None, :], -1), axis=2)
    roff = s_ids[None, :] - boff_at_bos
    lanes = jnp.take_along_axis(sk.reshape(npb, 16384), bos * 128 + roff,
                                axis=1).astype(jnp.int32)
    idxs = bos * 128 + (lanes % 1000)
    vals = jnp.take_along_axis(masked, idxs, axis=1)
    bidx = (jnp.arange(npb) // nc)[:, None]
    cboxes = all_boxes[bidx, idxs]
    pidx = idxs.astype(jnp.float32)

    def plane(a, pad):
        a = jnp.pad(a, ((0, _LANES - npb), (0, 0)), constant_values=pad)
        return a.T

    score_t = plane(vals, -1.0)
    x1_t = plane(cboxes[..., 0], 0.0)
    y1_t = plane(cboxes[..., 1], 0.0)
    x2_t = plane(cboxes[..., 2], 0.0)
    y2_t = plane(cboxes[..., 3], 0.0)
    pidx_t = plane(pidx, 0.0)

    outs, ox1, oy1, ox2, oy2 = _run_nms(score_t, x1_t, y1_t, x2_t, y2_t, pidx_t)

    sel_s = outs.T[:npb]
    dets = jnp.stack([sel_s, ox1.T[:npb], oy1.T[:npb], ox2.T[:npb], oy2.T[:npb]], axis=-1)
    dets = dets.reshape(num, nc, _TOPK, 5)
    output = jnp.zeros((num, _C, _TOPK, 5), dtype=jnp.float32)
    output = output.at[:, 1:].set(dets)
    return output

# --- scband reference (transcript-rebuilt; emitter-appended) ---
"""Pipeline reference for scband-detect-72335839199672 (READ-ONLY COPY).

The authoritative reference and input builder live on the scoring server;
editing this copy changes nothing except your own understanding.
"""

import jax, jax.numpy as jnp
import numpy as np
from jax import lax

NUM_CLASSES = 21
ARM_VARIANCE = (0.1, 0.2)
ODM_VARIANCE = (0.1, 0.2)
TOP_K_PER_CLASS = 400
POS_PRIOR_THRESHOLD = 0.01
DETECT_CONF_THRESH = 0.01
NMS_THRESH = 0.45
B, P = 4, 16320


def _softmax(x):
    m = x.max(axis=-1, keepdims=True)
    e = jnp.exp(x - m)
    return e / e.sum(axis=-1, keepdims=True)


def _refine_priors(arm_loc, priors, var):
    # arm_loc: [B, P, 4]; priors: [P, 4] center-form -> refined center-form priors [B, P, 4]
    centers = priors[None, :, :2] + arm_loc[:, :, :2] * var[0] * priors[None, :, 2:]
    wh = priors[None, :, 2:] * jnp.exp(arm_loc[:, :, 2:] * var[1])
    return jnp.concatenate([centers, wh], axis=2)


def _decode(loc, priors, var):
    # loc: [..., P, 4]; priors: [..., P, 4] center-form -> corner-form boxes [..., P, 4]
    xy = priors[..., :2] + loc[..., :2] * var[0] * priors[..., 2:]
    wh = priors[..., 2:] * jnp.exp(loc[..., 2:] * var[1])
    x1y1 = xy - wh / 2.0
    x2y2 = wh + x1y1
    return jnp.concatenate([x1y1, x2y2], axis=-1)


def _nms(boxes, scores, valid, overlap, top_k):
    # faithful fixed-shape port of SSD box_utils.nms (IoU = inter / union, iterative suppression)
    masked = jnp.where(valid, scores, -jnp.inf)
    order = jnp.argsort(masked, stable=True)
    top = order[-top_k:][::-1]
    tb = boxes[top]
    ts = scores[top]
    tv = valid[top]
    x1 = tb[:, 0]; y1 = tb[:, 1]; x2 = tb[:, 2]; y2 = tb[:, 3]
    area = (x2 - x1) * (y2 - y1)

    def body(t, state):
        active, out_s, out_b, count = state
        has = jnp.any(active)
        pivot = jnp.argmax(active)
        xx1 = jnp.maximum(x1, x1[pivot])
        yy1 = jnp.maximum(y1, y1[pivot])
        xx2 = jnp.minimum(x2, x2[pivot])
        yy2 = jnp.minimum(y2, y2[pivot])
        w = jnp.clip(xx2 - xx1, 0.0, None)
        h = jnp.clip(yy2 - yy1, 0.0, None)
        inter = w * h
        union = (area - inter) + area[pivot]
        IoU = inter / union
        new_active = active & (IoU <= overlap)
        new_active = new_active.at[pivot].set(False)
        slot = jnp.where(has, count, top_k)
        out_s = out_s.at[slot].set(ts[pivot])
        out_b = out_b.at[slot].set(tb[pivot])
        count = count + has.astype(jnp.int32)
        return new_active, out_s, out_b, count

    init = (tv,
            jnp.zeros((top_k,), jnp.float32),
            jnp.zeros((top_k, 4), jnp.float32),
            jnp.int32(0))
    _, out_s, out_b, _ = lax.fori_loop(0, top_k, body, init)
    return out_s, out_b


def _forward(arm_loc, arm_conf, odm_loc, odm_conf, prior):
    arm_score = _softmax(arm_conf)
    score = _softmax(odm_conf)
    num = arm_loc.shape[0]
    refined = _refine_priors(arm_loc, prior, ARM_VARIANCE)
    all_boxes = _decode(odm_loc, refined, ODM_VARIANCE)
    flag = arm_score[:, :, 1] > POS_PRIOR_THRESHOLD
    cls_scores = jnp.transpose(score, (0, 2, 1))[:, 1:, :]
    valid = flag[:, None, :] & (cls_scores > DETECT_CONF_THRESH)
    boxes_b = jnp.broadcast_to(all_boxes[:, None, :, :], (num, NUM_CLASSES - 1, P, 4))
    fb = boxes_b.reshape(-1, P, 4)
    fs = cls_scores.reshape(-1, P)
    fv = valid.reshape(-1, P)
    out_s, out_b = jax.vmap(
        lambda b_, s_, v_: _nms(b_, s_, v_, NMS_THRESH, TOP_K_PER_CLASS))(fb, fs, fv)
    dets = jnp.concatenate([out_s[..., None], out_b], axis=-1)
    dets = dets.reshape(num, NUM_CLASSES - 1, TOP_K_PER_CLASS, 5)
    output = jnp.zeros((num, NUM_CLASSES, TOP_K_PER_CLASS, 5), dtype=jnp.float32)
    output = output.at[:, 1:].set(dets)
    # the torch code sorts a flattened view but returns the unsorted reshaped output
    return output


def setup_inputs(seed: int = 0):
    key = jax.random.key(seed)
    k1, k2, k3, k4, k5 = jax.random.split(key, 5)
    return {
        'arm_loc_data': jax.random.normal(k1, (B, P, 4), jnp.float32),
        'arm_conf_data': jax.random.normal(k2, (B, P, 2), jnp.float32),
        'odm_loc_data': jax.random.normal(k3, (B, P, 4), jnp.float32),
        'odm_conf_data': jax.random.normal(k4, (B, P, NUM_CLASSES), jnp.float32),
        'prior_data': jax.random.uniform(k5, (P, 4), jnp.float32, 0.05, 0.95),
    }


def reference(arm_loc_data, arm_conf_data, odm_loc_data, odm_conf_data, prior_data):
    out = _forward(arm_loc_data, arm_conf_data,
                   odm_loc_data, odm_conf_data,
                   prior_data)
    return jnp.asarray(out)

if __name__ == "__main__":
    import jax
    _d = setup_inputs()
    print(jax.jit(kernel)(*tuple(_d.values())))

</pallas_src>

<mosaic_0001>
module attributes {stable_mosaic.version = 14 : i64} {
  func.func @_thresh_body(%arg0: memref<80x16384xf32, #tpu.memory_space<vmem>>, %arg1: memref<80x16xf32, #tpu.memory_space<vmem>>, %arg2: memref<80x16xi32, #tpu.memory_space<vmem>>) attributes {dimension_semantics = [], scalar_prefetch = 0 : i64, scratch_operands = 0 : i64, tpu.core_type = #tpu.core_type<tc>} {
    %get3A = arith.constant 0 : index
    %get3A_0 = arith.constant 0 : index
    %get3A_1 = vector.load %arg0[%get3A, %get3A_0] : memref<80x16384xf32, #tpu.memory_space<vmem>>, vector<80x16384xf32>
    %bitcast_convert_type3A = tpu.bitcast %get3A_1 : vector<80x16384xf32> -> vector<80x16384xi32>
    %lt3A = arith.constant 0.000000e+00 : f32
    %lt3A_2 = vector.broadcast %lt3A : f32 to vector<80x16384xf32>
    %lt3A_3 = arith.cmpf olt, %get3A_1, %lt3A_2 : vector<80x16384xf32>
    %not3A = arith.constant dense<-1> : vector<80x16384xi32>
    %not3A_4 = arith.xori %bitcast_convert_type3A, %not3A : vector<80x16384xi32>
    %or3A = arith.constant -2147483648 : i32
    %or3A_5 = vector.broadcast %or3A : i32 to vector<80x16384xi32>
    %or3A_6 = arith.ori %bitcast_convert_type3A, %or3A_5 : vector<80x16384xi32>
    %select_n3A = arith.select %lt3A_3, %not3A_4, %or3A_6 : vector<80x16384xi1>, vector<80x16384xi32>
    %iota3A = tpu.iota {dimensions = array<i32: 1>} : vector<80x16384xi32>
    %broadcast_in_dim3A = arith.constant 0 : i32
    %broadcast_in_dim3A_7 = vector.broadcast %broadcast_in_dim3A : i32 to vector<80x1xi32>
    %scan3A = arith.constant 0 : i32
    %scan3A_8 = arith.constant 32 : i32
    %scan3A_9 = arith.addi %scan3A, %scan3A_8 : i32
    %scan3A_10 = arith.constant 1 : i32
    %scan3A_11 = scf.for %scan3A_48 = %scan3A to %scan3A_9 step %scan3A_10 iter_args(%scan3A_49 = %broadcast_in_dim3A_7) -> (vector<80x1xi32>)  : i32 {
      %sub3A_50 = arith.constant 31 : i32
      %sub3A_51 = arith.subi %sub3A_50, %scan3A_48 : i32
      %shift_left3A = arith.constant 1 : i32
      %shift_left3A_52 = arith.shli %shift_left3A, %sub3A_51 : i32
      %or3A_53 = vector.broadcast %shift_left3A_52 : i32 to vector<80x1xi32>
      %or3A_54 = arith.ori %scan3A_49, %or3A_53 : vector<80x1xi32>
      %ge3A = vector.broadcast %or3A_54 : vector<80x1xi32> to vector<80x16384xi32>
      %ge3A_55 = arith.cmpi uge, %select_n3A, %ge3A : vector<80x16384xi32>
      %convert_element_type3A_56 = arith.extui %ge3A_55 : vector<80x16384xi1> to vector<80x16384xi32>
      %convert_element_type3A_57 = arith.sitofp %convert_element_type3A_56 : vector<80x16384xi32> to vector<80x16384xf32>
      %reduce_sum3A_58 = arith.constant dense<0.000000e+00> : vector<80xf32>
      %reduce_sum3A_59 = vector.multi_reduction <add>, %convert_element_type3A_57, %reduce_sum3A_58 [1] : vector<80x16384xf32> to vector<80xf32>
      %broadcast_in_dim3A_60 = vector.shape_cast %reduce_sum3A_59 : vector<80xf32> to vector<80x1xf32>
      %ge3A_61 = arith.constant 4.000000e+02 : f32
      %ge3A_62 = vector.broadcast %ge3A_61 : f32 to vector<80x1xf32>
      %ge3A_63 = arith.cmpf oge, %broadcast_in_dim3A_60, %ge3A_62 : vector<80x1xf32>
      %select_n3A_64 = arith.select %ge3A_63, %or3A_54, %scan3A_49 : vector<80x1xi1>, vector<80x1xi32>
      scf.yield %select_n3A_64 : vector<80x1xi32>
    }
    %scan3A_12 = arith.constant 32 : i32
    %gt3A = vector.broadcast %scan3A_11 : vector<80x1xi32> to vector<80x16384xi32>
    %gt3A_13 = arith.cmpi ugt, %select_n3A, %gt3A : vector<80x16384xi32>
    %convert_element_type3A = arith.extui %gt3A_13 : vector<80x16384xi1> to vector<80x16384xi32>
    %convert_element_type3A_14 = arith.sitofp %convert_element_type3A : vector<80x16384xi32> to vector<80x16384xf32>
    %reduce_sum3A = arith.constant dense<0.000000e+00> : vector<80xf32>
    %reduce_sum3A_15 = vector.multi_reduction <add>, %convert_element_type3A_14, %reduce_sum3A [1] : vector<80x16384xf32> to vector<80xf32>
    %broadcast_in_dim3A_16 = vector.shape_cast %reduce_sum3A_15 : vector<80xf32> to vector<80x1xf32>
    %sub3A = arith.constant 4.000000e+02 : f32
    %sub3A_17 = vector.broadcast %sub3A : f32 to vector<80x1xf32>
    %sub3A_18 = arith.subf %sub3A_17, %broadcast_in_dim3A_16 : vector<80x1xf32>
    %eq3A = vector.broadcast %scan3A_11 : vector<80x1xi32> to vector<80x16384xi32>
    %eq3A_19 = arith.cmpi eq, %select_n3A, %eq3A : vector<80x16384xi32>
    %broadcast_in_dim3A_20 = arith.constant 0 : i32
    %broadcast_in_dim3A_21 = vector.broadcast %broadcast_in_dim3A_20 : i32 to vector<80x1xi32>
    %scan3A_22 = arith.constant 0 : i32
    %scan3A_23 = arith.constant 15 : i32
    %scan3A_24 = arith.addi %scan3A_22, %scan3A_23 : i32
    %scan3A_25 = arith.constant 1 : i32
    %scan3A_26 = scf.for %scan3A_48 = %scan3A_22 to %scan3A_24 step %scan3A_25 iter_args(%scan3A_49 = %broadcast_in_dim3A_21) -> (vector<80x1xi32>)  : i32 {
      %sub3A_50 = arith.constant 14 : i32
      %sub3A_51 = arith.subi %sub3A_50, %scan3A_48 : i32
      %shift_left3A = arith.constant 1 : i32
      %shift_left3A_52 = arith.shli %shift_left3A, %sub3A_51 : i32
      %or3A_53 = vector.broadcast %shift_left3A_52 : i32 to vector<80x1xi32>
      %or3A_54 = arith.ori %scan3A_49, %or3A_53 : vector<80x1xi32>
      %ge3A = vector.broadcast %or3A_54 : vector<80x1xi32> to vector<80x16384xi32>
      %ge3A_55 = arith.cmpi sge, %iota3A, %ge3A : vector<80x16384xi32>
      %and3A = arith.andi %eq3A_19, %ge3A_55 : vector<80x16384xi1>
      %convert_element_type3A_56 = arith.extui %and3A : vector<80x16384xi1> to vector<80x16384xi32>
      %convert_element_type3A_57 = arith.sitofp %convert_element_type3A_56 : vector<80x16384xi32> to vector<80x16384xf32>
      %reduce_sum3A_58 = arith.constant dense<0.000000e+00> : vector<80xf32>
      %reduce_sum3A_59 = vector.multi_reduction <add>, %convert_element_type3A_57, %reduce_sum3A_58 [1] : vector<80x16384xf32> to vector<80xf32>
      %broadcast_in_dim3A_60 = vector.shape_cast %reduce_sum3A_59 : vector<80xf32> to vector<80x1xf32>
      %ge3A_61 = arith.cmpf oge, %broadcast_in_dim3A_60, %sub3A_18 : vector<80x1xf32>
      %select_n3A_62 = arith.select %ge3A_61, %or3A_54, %scan3A_49 : vector<80x1xi1>, vector<80x1xi32>
      scf.yield %select_n3A_62 : vector<80x1xi32>
    }
    %scan3A_27 = arith.constant 15 : i32
    %shift_right_logical3A = arith.constant 31 : i32
    %shift_right_logical3A_28 = vector.broadcast %shift_right_logical3A : i32 to vector<80x1xi32>
    %shift_right_logical3A_29 = arith.shrui %scan3A_11, %shift_right_logical3A_28 : vector<80x1xi32>
    %gt3A_30 = arith.constant 0 : i32
    %gt3A_31 = vector.broadcast %gt3A_30 : i32 to vector<80x1xi32>
    %gt3A_32 = arith.cmpi ugt, %shift_right_logical3A_29, %gt3A_31 : vector<80x1xi32>
    %xor3A = arith.constant -2147483648 : i32
    %xor3A_33 = vector.broadcast %xor3A : i32 to vector<80x1xi32>
    %xor3A_34 = arith.xori %scan3A_11, %xor3A_33 : vector<80x1xi32>
    %not3A_35 = arith.constant dense<-1> : vector<80x1xi32>
    %not3A_36 = arith.xori %scan3A_11, %not3A_35 : vector<80x1xi32>
    %select_n3A_37 = arith.select %gt3A_32, %xor3A_34, %not3A_36 : vector<80x1xi1>, vector<80x1xi32>
    %bitcast_convert_type3A_38 = tpu.bitcast %select_n3A_37 : vector<80x1xi32> -> vector<80x1xf32>
    %broadcast_in_dim3A_39 = vector.shape_cast %bitcast_convert_type3A_38 : vector<80x1xf32> to vector<80x1xf32>
    %broadcast_in_dim3A_40 = vector.broadcast %broadcast_in_dim3A_39 : vector<80x1xf32> to vector<80x16xf32>
    %swap3A = arith.constant 0 : index
    %swap3A_41 = arith.constant 0 : index
    %swap3A_42 = vector.load %arg1[%swap3A, %swap3A_41] : memref<80x16xf32, #tpu.memory_space<vmem>>, vector<80x16xf32>
    tpu.vector_store %arg1[%swap3A, %swap3A_41], %broadcast_in_dim3A_40 {strides = array<i32>} : memref<80x16xf32, #tpu.memory_space<vmem>>, vector<80x16xf32>,
    %broadcast_in_dim3A_43 = vector.shape_cast %scan3A_26 : vector<80x1xi32> to vector<80x1xi32>
    %broadcast_in_dim3A_44 = vector.broadcast %broadcast_in_dim3A_43 : vector<80x1xi32> to vector<80x16xi32>
    %swap3A_45 = arith.constant 0 : index
    %swap3A_46 = arith.constant 0 : index
    %swap3A_47 = vector.load %arg2[%swap3A_45, %swap3A_46] : memref<80x16xi32, #tpu.memory_space<vmem>>, vector<80x16xi32>
    tpu.vector_store %arg2[%swap3A_45, %swap3A_46], %broadcast_in_dim3A_44 {strides = array<i32>} : memref<80x16xi32, #tpu.memory_space<vmem>>, vector<80x16xi32>,
    return
  }
}

module attributes {stable_mosaic.version = 14 : i64} {
  func.func @_nms_body(%arg0: memref<400x128xf32, #tpu.memory_space<vmem>>, %arg1: memref<400x128xf32, #tpu.memory_space<vmem>>, %arg2: memref<400x128xf32, #tpu.memory_space<vmem>>, %arg3: memref<400x128xf32, #tpu.memory_space<vmem>>, %arg4: memref<400x128xf32, #tpu.memory_space<vmem>>, %arg5: memref<400x128xf32, #tpu.memory_space<vmem>>, %arg6: memref<400x128xf32, #tpu.memory_space<vmem>>, %arg7: memref<400x128xf32, #tpu.memory_space<vmem>>, %arg8: memref<400x128xf32, #tpu.memory_space<vmem>>, %arg9: memref<400x128xf32, #tpu.memory_space<vmem>>, %arg10: memref<400x128xf32, #tpu.memory_space<vmem>>, %arg11: memref<400x128xf32, #tpu.memory_space<vmem>>, %arg12: memref<400x128xf32, #tpu.memory_space<vmem>>) attributes {dimension_semantics = [], scalar_prefetch = 0 : i64, scratch_operands = 2 : i64, tpu.core_type = #tpu.core_type<tc>} {
    %get3A = arith.constant 0 : index
    %get3A_0 = arith.constant 0 : index
    %get3A_1 = vector.load %arg0[%get3A, %get3A_0] : memref<400x128xf32, #tpu.memory_space<vmem>>, vector<400x128xf32>
    %get3A_2 = arith.constant 0 : index
    %get3A_3 = arith.constant 0 : index
    %get3A_4 = vector.load %arg1[%get3A_2, %get3A_3] : memref<400x128xf32, #tpu.memory_space<vmem>>, vector<400x128xf32>
    %get3A_5 = arith.constant 0 : index
    %get3A_6 = arith.constant 0 : index
    %get3A_7 = vector.load %arg2[%get3A_5, %get3A_6] : memref<400x128xf32, #tpu.memory_space<vmem>>, vector<400x128xf32>
    %get3A_8 = arith.constant 0 : index
    %get3A_9 = arith.constant 0 : index
    %get3A_10 = vector.load %arg3[%get3A_8, %get3A_9] : memref<400x128xf32, #tpu.memory_space<vmem>>, vector<400x128xf32>
    %get3A_11 = arith.constant 0 : index
    %get3A_12 = arith.constant 0 : index
    %get3A_13 = vector.load %arg4[%get3A_11, %get3A_12] : memref<400x128xf32, #tpu.memory_space<vmem>>, vector<400x128xf32>
    %gt3A = arith.constant 0.000000e+00 : f32
    %gt3A_14 = vector.broadcast %gt3A : f32 to vector<400x128xf32>
    %gt3A_15 = arith.cmpf ogt, %get3A_1, %gt3A_14 : vector<400x128xf32>
    %jit3A = arith.constant 1.000000e+00 : f32
    %jit3A_16 = arith.constant 0.000000e+00 : f32
    %broadcast_in_dim3A = vector.broadcast %jit3A : f32 to vector<400x128xf32>
    %broadcast_in_dim3A_17 = vector.broadcast %jit3A_16 : f32 to vector<400x128xf32>
    %select_n3A = arith.select %gt3A_15, %broadcast_in_dim3A, %broadcast_in_dim3A_17 : vector<400x128xi1>, vector<400x128xf32>
    %swap3A = arith.constant 0 : index
    %swap3A_18 = arith.constant 0 : index
    %swap3A_19 = vector.load %arg11[%swap3A, %swap3A_18] : memref<400x128xf32, #tpu.memory_space<vmem>>, vector<400x128xf32>
    tpu.vector_store %arg11[%swap3A, %swap3A_18], %select_n3A {strides = array<i32>} : memref<400x128xf32, #tpu.memory_space<vmem>>, vector<400x128xf32>,
    %sub3A = arith.subf %get3A_10, %get3A_4 : vector<400x128xf32>
    %sub3A_20 = arith.subf %get3A_13, %get3A_7 : vector<400x128xf32>
    %mul3A = arith.mulf %sub3A, %sub3A_20 : vector<400x128xf32>
    %swap3A_21 = arith.constant 0 : index
    %swap3A_22 = arith.constant 0 : index
    %swap3A_23 = vector.load %arg12[%swap3A_21, %swap3A_22] : memref<400x128xf32, #tpu.memory_space<vmem>>, vector<400x128xf32>
    tpu.vector_store %arg12[%swap3A_21, %swap3A_22], %mul3A {strides = array<i32>} : memref<400x128xf32, #tpu.memory_space<vmem>>, vector<400x128xf32>,
    %broadcast_in_dim3A_24 = arith.constant 0.000000e+00 : f32
    %broadcast_in_dim3A_25 = vector.broadcast %broadcast_in_dim3A_24 : f32 to vector<400x128xf32>
    %swap3A_26 = arith.constant 0 : index
    %swap3A_27 = arith.constant 0 : index
    %swap3A_28 = vector.load %arg6[%swap3A_26, %swap3A_27] : memref<400x128xf32, #tpu.memory_space<vmem>>, vector<400x128xf32>
    tpu.vector_store %arg6[%swap3A_26, %swap3A_27], %broadcast_in_dim3A_25 {strides = array<i32>} : memref<400x128xf32, #tpu.memory_space<vmem>>, vector<400x128xf32>,
    %swap3A_29 = arith.constant 0 : index
    %swap3A_30 = arith.constant 0 : index
    %swap3A_31 = vector.load %arg7[%swap3A_29, %swap3A_30] : memref<400x128xf32, #tpu.memory_space<vmem>>, vector<400x128xf32>
    tpu.vector_store %arg7[%swap3A_29, %swap3A_30], %broadcast_in_dim3A_25 {strides = array<i32>} : memref<400x128xf32, #tpu.memory_space<vmem>>, vector<400x128xf32>,
    %swap3A_32 = arith.constant 0 : index
    %swap3A_33 = arith.constant 0 : index
    %swap3A_34 = vector.load %arg8[%swap3A_32, %swap3A_33] : memref<400x128xf32, #tpu.memory_space<vmem>>, vector<400x128xf32>
    tpu.vector_store %arg8[%swap3A_32, %swap3A_33], %broadcast_in_dim3A_25 {strides = array<i32>} : memref<400x128xf32, #tpu.memory_space<vmem>>, vector<400x128xf32>,
    %swap3A_35 = arith.constant 0 : index
    %swap3A_36 = arith.constant 0 : index
    %swap3A_37 = vector.load %arg9[%swap3A_35, %swap3A_36] : memref<400x128xf32, #tpu.memory_space<vmem>>, vector<400x128xf32>
    tpu.vector_store %arg9[%swap3A_35, %swap3A_36], %broadcast_in_dim3A_25 {strides = array<i32>} : memref<400x128xf32, #tpu.memory_space<vmem>>, vector<400x128xf32>,
    %swap3A_38 = arith.constant 0 : index
    %swap3A_39 = arith.constant 0 : index
    %swap3A_40 = vector.load %arg10[%swap3A_38, %swap3A_39] : memref<400x128xf32, #tpu.memory_space<vmem>>, vector<400x128xf32>
    tpu.vector_store %arg10[%swap3A_38, %swap3A_39], %broadcast_in_dim3A_25 {strides = array<i32>} : memref<400x128xf32, #tpu.memory_space<vmem>>, vector<400x128xf32>,
    %scan3A = arith.constant 0 : i32
    %scan3A_41 = arith.constant 400 : i32
    %scan3A_42 = arith.addi %scan3A, %scan3A_41 : i32
    %scan3A_43 = arith.constant 1 : i32
    scf.for %scan3A_45 = %scan3A to %scan3A_42 step %scan3A_43  : i32 {
      %get3A_46 = arith.constant 0 : index
      %get3A_47 = arith.constant 0 : index
      %get3A_48 = vector.load %arg11[%get3A_46, %get3A_47] : memref<400x128xf32, #tpu.memory_space<vmem>>, vector<400x128xf32>
      %gt3A_49 = arith.constant 5.000000e-01 : f32
      %gt3A_50 = vector.broadcast %gt3A_49 : f32 to vector<400x128xf32>
      %gt3A_51 = arith.cmpf ogt, %get3A_48, %gt3A_50 : vector<400x128xf32>
      %get3A_52 = arith.constant 0 : index
      %get3A_53 = arith.constant 0 : index
      %get3A_54 = vector.load %arg0[%get3A_52, %get3A_53] : memref<400x128xf32, #tpu.memory_space<vmem>>, vector<400x128xf32>
      %get3A_55 = arith.constant 0 : index
      %get3A_56 = arith.constant 0 : index
      %get3A_57 = vector.load %arg1[%get3A_55, %get3A_56] : memref<400x128xf32, #tpu.memory_space<vmem>>, vector<400x128xf32>
      %get3A_58 = arith.constant 0 : index
      %get3A_59 = arith.constant 0 : index
      %get3A_60 = vector.load %arg2[%get3A_58, %get3A_59] : memref<400x128xf32, #tpu.memory_space<vmem>>, vector<400x128xf32>
      %get3A_61 = arith.constant 0 : index
      %get3A_62 = arith.constant 0 : index
      %get3A_63 = vector.load %arg3[%get3A_61, %get3A_62] : memref<400x128xf32, #tpu.memory_space<vmem>>, vector<400x128xf32>
      %get3A_64 = arith.constant 0 : index
      %get3A_65 = arith.constant 0 : index
      %get3A_66 = vector.load %arg4[%get3A_64, %get3A_65] : memref<400x128xf32, #tpu.memory_space<vmem>>, vector<400x128xf32>
      %get3A_67 = arith.constant 0 : index
      %get3A_68 = arith.constant 0 : index
      %get3A_69 = vector.load %arg12[%get3A_67, %get3A_68] : memref<400x128xf32, #tpu.memory_space<vmem>>, vector<400x128xf32>
      %get3A_70 = arith.constant 0 : index
      %get3A_71 = arith.constant 0 : index
      %get3A_72 = vector.load %arg5[%get3A_70, %get3A_71] : memref<400x128xf32, #tpu.memory_space<vmem>>, vector<400x128xf32>
      %jit3A_73 = arith.constant -1.000000e+00 : f32
      %broadcast_in_dim3A_74 = vector.broadcast %jit3A_73 : f32 to vector<400x128xf32>
      %select_n3A_75 = arith.select %gt3A_51, %get3A_54, %broadcast_in_dim3A_74 : vector<400x128xi1>, vector<400x128xf32>
      %reduce_max3A = arith.constant dense<0xFF800000> : vector<128xf32>
      %reduce_max3A_76 = vector.multi_reduction <maximumf>, %select_n3A_75, %reduce_max3A [0] : vector<400x128xf32> to vector<128xf32>
      %broadcast_in_dim3A_77 = vector.shape_cast %reduce_max3A_76 : vector<128xf32> to vector<1x128xf32>
      %gt3A_78 = arith.constant 0.000000e+00 : f32
      %gt3A_79 = vector.broadcast %gt3A_78 : f32 to vector<1x128xf32>
      %gt3A_80 = arith.cmpf ogt, %broadcast_in_dim3A_77, %gt3A_79 : vector<1x128xf32>
      %eq3A = vector.broadcast %broadcast_in_dim3A_77 : vector<1x128xf32> to vector<400x128xf32>
      %eq3A_81 = arith.cmpf oeq, %get3A_54, %eq3A : vector<400x128xf32>
      %and3A = arith.andi %gt3A_51, %eq3A_81 : vector<400x128xi1>
      %jit3A_82 = arith.constant -1.000000e+00 : f32
      %broadcast_in_dim3A_83 = vector.broadcast %jit3A_82 : f32 to vector<400x128xf32>
      %select_n3A_84 = arith.select %and3A, %get3A_72, %broadcast_in_dim3A_83 : vector<400x128xi1>, vector<400x128xf32>
      %reduce_max3A_85 = arith.constant dense<0xFF800000> : vector<128xf32>
      %reduce_max3A_86 = vector.multi_reduction <maximumf>, %select_n3A_84, %reduce_max3A_85 [0] : vector<400x128xf32> to vector<128xf32>
      %broadcast_in_dim3A_87 = vector.shape_cast %reduce_max3A_86 : vector<128xf32> to vector<1x128xf32>
      %eq3A_88 = vector.broadcast %broadcast_in_dim3A_87 : vector<1x128xf32> to vector<400x128xf32>
      %eq3A_89 = arith.cmpf oeq, %get3A_72, %eq3A_88 : vector<400x128xf32>
      %and3A_90 = arith.andi %and3A, %eq3A_89 : vector<400x128xi1>
      %jit3A_91 = arith.constant 1.000000e+00 : f32
      %jit3A_92 = arith.constant 0.000000e+00 : f32
      %broadcast_in_dim3A_93 = vector.broadcast %jit3A_91 : f32 to vector<400x128xf32>
      %broadcast_in_dim3A_94 = vector.broadcast %jit3A_92 : f32 to vector<400x128xf32>
      %select_n3A_95 = arith.select %and3A_90, %broadcast_in_dim3A_93, %broadcast_in_dim3A_94 : vector<400x128xi1>, vector<400x128xf32>
      %mul3A_96 = arith.mulf %select_n3A_95, %get3A_57 : vector<400x128xf32>
      %reduce_sum3A = arith.constant dense<0.000000e+00> : vector<128xf32>
      %reduce_sum3A_97 = vector.multi_reduction <add>, %mul3A_96, %reduce_sum3A [0] : vector<400x128xf32> to vector<128xf32>
      %broadcast_in_dim3A_98 = vector.shape_cast %reduce_sum3A_97 : vector<128xf32> to vector<1x128xf32>
      %mul3A_99 = arith.mulf %select_n3A_95, %get3A_60 : vector<400x128xf32>
      %reduce_sum3A_100 = arith.constant dense<0.000000e+00> : vector<128xf32>
      %reduce_sum3A_101 = vector.multi_reduction <add>, %mul3A_99, %reduce_sum3A_100 [0] : vector<400x128xf32> to vector<128xf32>
      %broadcast_in_dim3A_102 = vector.shape_cast %reduce_sum3A_101 : vector<128xf32> to vector<1x128xf32>
      %mul3A_103 = arith.mulf %select_n3A_95, %get3A_63 : vector<400x128xf32>
      %reduce_sum3A_104 = arith.constant dense<0.000000e+00> : vector<128xf32>
      %reduce_sum3A_105 = vector.multi_reduction <add>, %mul3A_103, %reduce_sum3A_104 [0] : vector<400x128xf32> to vector<128xf32>
      %broadcast_in_dim3A_106 = vector.shape_cast %reduce_sum3A_105 : vector<128xf32> to vector<1x128xf32>
      %mul3A_107 = arith.mulf %select_n3A_95, %get3A_66 : vector<400x128xf32>
      %reduce_sum3A_108 = arith.constant dense<0.000000e+00> : vector<128xf32>
      %reduce_sum3A_109 = vector.multi_reduction <add>, %mul3A_107, %reduce_sum3A_108 [0] : vector<400x128xf32> to vector<128xf32>
      %broadcast_in_dim3A_110 = vector.shape_cast %reduce_sum3A_109 : vector<128xf32> to vector<1x128xf32>
      %mul3A_111 = arith.mulf %select_n3A_95, %get3A_69 : vector<400x128xf32>
      %reduce_sum3A_112 = arith.constant dense<0.000000e+00> : vector<128xf32>
      %reduce_sum3A_113 = vector.multi_reduction <add>, %mul3A_111, %reduce_sum3A_112 [0] : vector<400x128xf32> to vector<128xf32>
      %broadcast_in_dim3A_114 = vector.shape_cast %reduce_sum3A_113 : vector<128xf32> to vector<1x128xf32>
      %max3A = vector.broadcast %broadcast_in_dim3A_98 : vector<1x128xf32> to vector<400x128xf32>
      %max3A_115 = arith.maximumf %get3A_57, %max3A : vector<400x128xf32>
      %max3A_116 = vector.broadcast %broadcast_in_dim3A_102 : vector<1x128xf32> to vector<400x128xf32>
      %max3A_117 = arith.maximumf %get3A_60, %max3A_116 : vector<400x128xf32>
      %min3A = vector.broadcast %broadcast_in_dim3A_106 : vector<1x128xf32> to vector<400x128xf32>
      %min3A_118 = arith.minimumf %get3A_63, %min3A : vector<400x128xf32>
      %min3A_119 = vector.broadcast %broadcast_in_dim3A_110 : vector<1x128xf32> to vector<400x128xf32>
      %min3A_120 = arith.minimumf %get3A_66, %min3A_119 : vector<400x128xf32>
      %sub3A_121 = arith.subf %min3A_118, %max3A_115 : vector<400x128xf32>
      %jit3A_122 = arith.constant 0.000000e+00 : f32
      %max3A_123 = vector.broadcast %jit3A_122 : f32 to vector<400x128xf32>
      %max3A_124 = arith.maximumf %max3A_123, %sub3A_121 : vector<400x128xf32>
      %sub3A_125 = arith.subf %min3A_120, %max3A_117 : vector<400x128xf32>
      %jit3A_126 = arith.constant 0.000000e+00 : f32
      %max3A_127 = vector.broadcast %jit3A_126 : f32 to vector<400x128xf32>
      %max3A_128 = arith.maximumf %max3A_127, %sub3A_125 : vector<400x128xf32>
      %mul3A_129 = arith.mulf %max3A_124, %max3A_128 : vector<400x128xf32>
      %sub3A_130 = arith.subf %get3A_69, %mul3A_129 : vector<400x128xf32>
      %add3A = vector.broadcast %broadcast_in_dim3A_114 : vector<1x128xf32> to vector<400x128xf32>
      %add3A_131 = arith.addf %sub3A_130, %add3A : vector<400x128xf32>
      %div3A = arith.divf %mul3A_129, %add3A_131 : vector<400x128xf32>
      %le3A = arith.constant 4.500000e-01 : f32
      %le3A_132 = vector.broadcast %le3A : f32 to vector<400x128xf32>
      %le3A_133 = arith.cmpf ole, %div3A, %le3A_132 : vector<400x128xf32>
      %and3A_134 = arith.andi %gt3A_51, %le3A_133 : vector<400x128xi1>
      %not3A = arith.constant dense<true> : vector<400x128xi1>
      %not3A_135 = arith.xori %and3A_90, %not3A : vector<400x128xi1>
      %and3A_136 = arith.andi %and3A_134, %not3A_135 : vector<400x128xi1>
      %jit3A_137 = arith.constant 1.000000e+00 : f32
      %jit3A_138 = arith.constant 0.000000e+00 : f32
      %broadcast_in_dim3A_139 = vector.broadcast %jit3A_137 : f32 to vector<400x128xf32>
      %broadcast_in_dim3A_140 = vector.broadcast %jit3A_138 : f32 to vector<400x128xf32>
      %select_n3A_141 = arith.select %and3A_136, %broadcast_in_dim3A_139, %broadcast_in_dim3A_140 : vector<400x128xi1>, vector<400x128xf32>
      %swap3A_142 = arith.constant 0 : index
      %swap3A_143 = arith.constant 0 : index
      %swap3A_144 = vector.load %arg11[%swap3A_142, %swap3A_143] : memref<400x128xf32, #tpu.memory_space<vmem>>, vector<400x128xf32>
      tpu.vector_store %arg11[%swap3A_142, %swap3A_143], %select_n3A_141 {strides = array<i32>} : memref<400x128xf32, #tpu.memory_space<vmem>>, vector<400x128xf32>,
      %jit3A_145 = arith.constant 0.000000e+00 : f32
      %broadcast_in_dim3A_146 = vector.broadcast %jit3A_145 : f32 to vector<1x128xf32>
      %select_n3A_147 = arith.select %gt3A_80, %broadcast_in_dim3A_77, %broadcast_in_dim3A_146 : vector<1x128xi1>, vector<1x128xf32>
      %swap3A_148 = arith.index_cast %scan3A_45 : i32 to index
      %swap3A_149 = arith.constant 0 : index
      %swap3A_150 = vector.load %arg6[%swap3A_148, %swap3A_149] : memref<400x128xf32, #tpu.memory_space<vmem>>, vector<1x128xf32>
      tpu.vector_store %arg6[%swap3A_148, %swap3A_149], %select_n3A_147 {strides = array<i32>} : memref<400x128xf32, #tpu.memory_space<vmem>>, vector<1x128xf32>,
      %jit3A_151 = arith.constant 0.000000e+00 : f32
      %broadcast_in_dim3A_152 = vector.broadcast %jit3A_151 : f32 to vector<1x128xf32>
      %select_n3A_153 = arith.select %gt3A_80, %broadcast_in_dim3A_98, %broadcast_in_dim3A_152 : vector<1x128xi1>, vector<1x128xf32>
      %swap3A_154 = arith.index_cast %scan3A_45 : i32 to index
      %swap3A_155 = arith.constant 0 : index
      %swap3A_156 = vector.load %arg7[%swap3A_154, %swap3A_155] : memref<400x128xf32, #tpu.memory_space<vmem>>, vector<1x128xf32>
      tpu.vector_store %arg7[%swap3A_154, %swap3A_155], %select_n3A_153 {strides = array<i32>} : memref<400x128xf32, #tpu.memory_space<vmem>>, vector<1x128xf32>,
      %jit3A_157 = arith.constant 0.000000e+00 : f32
      %broadcast_in_dim3A_158 = vector.broadcast %jit3A_157 : f32 to vector<1x128xf32>
      %select_n3A_159 = arith.select %gt3A_80, %broadcast_in_dim3A_102, %broadcast_in_dim3A_158 : vector<1x128xi1>, vector<1x128xf32>
      %swap3A_160 = arith.index_cast %scan3A_45 : i32 to index
      %swap3A_161 = arith.constant 0 : index
      %swap3A_162 = vector.load %arg8[%swap3A_160, %swap3A_161] : memref<400x128xf32, #tpu.memory_space<vmem>>, vector<1x128xf32>
      tpu.vector_store %arg8[%swap3A_160, %swap3A_161], %select_n3A_159 {strides = array<i32>} : memref<400x128xf32, #tpu.memory_space<vmem>>, vector<1x128xf32>,
      %jit3A_163 = arith.constant 0.000000e+00 : f32
      %broadcast_in_dim3A_164 = vector.broadcast %jit3A_163 : f32 to vector<1x128xf32>
      %select_n3A_165 = arith.select %gt3A_80, %broadcast_in_dim3A_106, %broadcast_in_dim3A_164 : vector<1x128xi1>, vector<1x128xf32>
      %swap3A_166 = arith.index_cast %scan3A_45 : i32 to index
      %swap3A_167 = arith.constant 0 : index
      %swap3A_168 = vector.load %arg9[%swap3A_166, %swap3A_167] : memref<400x128xf32, #tpu.memory_space<vmem>>, vector<1x128xf32>
      tpu.vector_store %arg9[%swap3A_166, %swap3A_167], %select_n3A_165 {strides = array<i32>} : memref<400x128xf32, #tpu.memory_space<vmem>>, vector<1x128xf32>,
      %jit3A_169 = arith.constant 0.000000e+00 : f32
      %broadcast_in_dim3A_170 = vector.broadcast %jit3A_169 : f32 to vector<1x128xf32>
      %select_n3A_171 = arith.select %gt3A_80, %broadcast_in_dim3A_110, %broadcast_in_dim3A_170 : vector<1x128xi1>, vector<1x128xf32>
      %swap3A_172 = arith.index_cast %scan3A_45 : i32 to index
      %swap3A_173 = arith.constant 0 : index
      %swap3A_174 = vector.load %arg10[%swap3A_172, %swap3A_173] : memref<400x128xf32, #tpu.memory_space<vmem>>, vector<1x128xf32>
      tpu.vector_store %arg10[%swap3A_172, %swap3A_173], %select_n3A_171 {strides = array<i32>} : memref<400x128xf32, #tpu.memory_space<vmem>>, vector<1x128xf32>,
    }
    %scan3A_44 = arith.constant 400 : i32
    return
  }
}

</mosaic_0001>

<sc_bundles>
// kernel: gather_offload_async_start.1
scs
__scs_entry_jumppad:
0x0: {  	(pc) =	sbr.rel $0x88, $3  }
0x1: {  	(tag) =	ssettag $0x0;
	lr =	simm.s32 $0x1  }
0x2: {  	[smem:$0x3F9C] =	sst lr;
	_ =	strace $0xD0000000  }
0x3: {  	_ = 	snop  }
0x4: {  	_ = 	snop  }
0x5: {  	_ = 	snop  }
0x6: {  	_ = 	snop  }
0x7: {  	_ = 	snop  }
__scs_overlays_trampoline_lowered:
0x8: {  	[smem:$0x3FAB] =	sst s0  }
0x9: {  	[smem:$0x3FAC] =	sst s1  }
0xa: {  	[smem:$0x3FAD] =	sst s2  }
0xb: {  	[smem:$0x3FAE] =	sst s3  }
0xc: {  	[smem:$0x3FAF] =	sst s4  }
0xd: {  	[smem:$0x3FB0] =	sst s5  }
0xe: {  	[smem:$0x3FB1] =	sst s6  }
0xf: {  	[smem:$0x3FB2] =	sst s7  }
0x10: {  	[smem:$0x3FB3] =	sst s8  }
0x11: {  	[smem:$0x3FB4] =	sst s9;
	s0 =	simm.s32 @!p0 $0x0  }
0x12: {  	s1 =	sld [smem:$0x3F9A];
	s0 =	simm.s32 @p0 $0x1  }
0x13: {  	[smem:$0x3FB5] =	sst s0;
	s0 =	simm.s32 @!p1 $0x0  }
0x14: {  	s2 =	sld [smem:$0x3F99];
	s0 =	simm.s32 @p1 $0x1  }
0x15: {  	[smem:$0x3FB6] =	sst s0;
	s0 =	simm.s32 @!p2 $0x0  }
0x16: {  	s3 =	sld [smem:$0x3FDB];
	s0 =	simm.s32 @p2 $0x1  }
0x17: {  	s4 =	simm.s32 $0x1BF5;
	[smem:$0x3FB8] =	sst s0  }
0x18: {  	s0 =	sld [smem:$0x3F9B];
	_ =	swait.ge [sflag:s4], $0x0  }
0x19: {  	s7 =	sld [smem:$0x3F9C]  }
0x1a: {  	s8 =	sadd.s32 $0xFFFFE003, lr  }
0x1b: {  	s9 =	sadd.s32 $0xFFFFFEF7, lr;
	s5 =	simm.s32 $0xFFFFFFFF;
	p2 =	slt.u32 s8, $0xFFFFF086  }
0x1c: {  	p1 =	slt.u32 s9, $0xF7A;
	s5 =	simm.s32 @!p2 $0x0  }
0x1d: {  	s5 =	simm.s32 @p1 $0x1;
	p0 =	seq.s32 s7, s2  }
0x1e: {  	s7 =	smul.u32 @!p0 $0xF7A, s2;
	p2 =	seq.s32 @!p0 s5, $0x0  }
0x1f: {  	s9 =	smul.u32 $0xF7A, s1;
	s8 =	simm.s32 @!p0 $0x1BF5;
	p2 =	por !p2, p0  }
0x20: {  	[sflag:s8] =	ssyncset.s32 @!p0 $0xFFFFF086;
	s6 =	sadd.s32 @!p0 s3, s7;
	s7 =	simm.s32 @!p0 $0x108  }
0x21: {  	s3 =	sadd.s32 s3, s9;
	s6 =	sadd.s32 @!p0 $0x88, s6;
	s7 =	simm.s32 @p2 $0x1082  }
0x22: {  	[simem:s7], [sflag:s8] =	dma.local @!p0 [hbm:s6], $0xF7A  }
0x23: {  	s9 =	sor.u32 $0xD0000000, s2;
	s6 =	simm.s32 $0x108;
	_ =	swait.ge @!p0 [sflag:s8], $0x0  }
0x24: {  	s3 =	sadd.s32 $0x88, s3;
	s6 =	simm.s32 @!p1 $0x1082;
	[sflag:s4] =	ssyncset.s32 $0xFFFFF086  }
0x25: {  	[simem:s6], [sflag:s4] =	dma.local [hbm:s3], $0xF7A  }
0x26: {  	[smem:$0x3F9C] =	sst s1;
	(tag) =	ssettag s2;
	_ =	strace s9  }
0x27: {  	s1 =	sld [smem:$0x3FAC]  }
0x28: {  	s2 =	sld [smem:$0x3FAD]  }
0x29: {  	s4 =	sld [smem:$0x3FAF]  }
0x2a: {  	p0 =	seq.s32 s5, $0x0;
	s5 =	sld [smem:$0x3FB0]  }
0x2b: {  	s6 =	sld [smem:$0x3FB1]  }
0x2c: {  	s7 =	sld [smem:$0x3FB2]  }
0x2d: {  	s3 =	simm.s32 $0x108;
	s8 =	sld [smem:$0x3FB3]  }
0x2e: {  	s3 =	simm.s32 @!p0 $0x1082;
	s9 =	sld [smem:$0x3FB4]  }
0x2f: {  	lr =	sadd.s32 s0, s3;
	s0 =	sld [smem:$0x3FAB]  }
0x30: {  	s3 =	sld [smem:$0x3FAE]  }
0x31: {  	[smem:$0x3FB7] =	sst s10  }
0x32: {  	s10 =	sld [smem:$0x3FB5];
	_ =	sdelay $0x3  }
0x33: {  	p0 =	seq.s32 s10, $0x1;
	s10 =	sld [smem:$0x3FB7];
	_ =	sdelay $0x3  }
0x34: {  	[smem:$0x3FB7] =	sst s10  }
0x35: {  	s10 =	sld [smem:$0x3FB6];
	_ =	sdelay $0x3  }
0x36: {  	p1 =	seq.s32 s10, $0x1;
	s10 =	sld [smem:$0x3FB7];
	_ =	sdelay $0x3  }
0x37: {  	[smem:$0x3FB7] =	sst s10  }
0x38: {  	s10 =	sld [smem:$0x3FB8]  }
0x39: {  	_ = 	snop;
	(pc) =	sbr.ind lr, $3  }
0x3a: {  	_ = 	snop  }
0x3b: {  	_ = 	snop  }
0x3c: {  	p2 =	seq.s32 s10, $0x1;
	s10 =	sld [smem:$0x3FB7]  }
0x3d: {  	_ =	shalt  }
0x3e: {  	_ =	shalt  }
0x3f: {  	_ =	shalt  }
0x40: {  	_ =	shalt  }
0x41: {  	_ =	shalt  }
0x42: {  	_ =	shalt  }
0x43: {  	_ =	shalt  }
0x44: {  	_ =	shalt  }
0x45: {  	_ =	shalt  }
0x46: {  	_ =	shalt  }
0x47: {  	_ =	shalt  }
0x48: {  	_ =	shalt  }
0x49: {  	_ =	shalt  }
0x4a: {  	_ =	shalt  }
0x4b: {  	_ =	shalt  }
0x4c: {  	_ =	shalt  }
0x4d: {  	_ =	shalt  }
0x4e: {  	_ =	shalt  }
0x4f: {  	_ =	shalt  }
0x50: {  	_ =	shalt  }
0x51: {  	_ =	shalt  }
0x52: {  	_ =	shalt  }
0x53: {  	_ =	shalt  }
0x54: {  	_ =	shalt  }
0x55: {  	_ =	shalt  }
0x56: {  	_ =	shalt  }
0x57: {  	_ =	shalt  }
0x58: {  	_ =	shalt  }
0x59: {  	_ =	shalt  }
0x5a: {  	_ =	shalt  }
0x5b: {  	_ =	shalt  }
0x5c: {  	_ =	shalt  }
0x5d: {  	_ =	shalt  }
0x5e: {  	_ =	shalt  }
0x5f: {  	_ =	shalt  }
0x60: {  	_ =	shalt  }
0x61: {  	_ =	shalt  }
0x62: {  	_ =	shalt  }
0x63: {  	_ =	shalt  }
0x64: {  	_ =	shalt  }
0x65: {  	_ =	shalt  }
0x66: {  	_ =	shalt  }
0x67: {  	_ =	shalt  }
0x68: {  	_ =	shalt  }
0x69: {  	_ =	shalt  }
0x6a: {  	_ =	shalt  }
0x6b: {  	_ =	shalt  }
0x6c: {  	_ =	shalt  }
0x6d: {  	_ =	shalt  }
0x6e: {  	_ =	shalt  }
0x6f: {  	_ =	shalt  }
0x70: {  	_ =	shalt  }
0x71: {  	_ =	shalt  }
0x72: {  	_ =	shalt  }
0x73: {  	_ =	shalt  }
0x74: {  	_ =	shalt  }
0x75: {  	_ =	shalt  }
0x76: {  	_ =	shalt  }
0x77: {  	_ =	shalt  }
0x78: {  	_ =	shalt  }
0x79: {  	_ =	shalt  }
0x7a: {  	_ =	shalt  }
0x7b: {  	_ =	shalt  }
0x7c: {  	_ =	shalt  }
0x7d: {  	_ =	shalt  }
0x7e: {  	_ =	shalt  }
0x7f: {  	_ =	shalt  }
0x80: {  	_ =	shalt  }
0x81: {  	_ =	shalt  }
0x82: {  	_ =	shalt  }
0x83: {  	_ =	shalt  }
0x84: {  	_ =	shalt  }
0x85: {  	_ =	shalt  }
0x86: {  	_ =	shalt  }
0x87: {  	_ =	shalt  }
.Lfunc_end0:
.L_simem_size_0:
called_computation.1_lowered:
.L_overlay_start_0:
0x88: {  	s0 =	sld [smem:$0x3FD9]  }
0x89: {  	s1 =	sld [smem:$0x3FFE];
	_ =	sdelay $0x3  }
0x8a: {  	s0 =	sadd.s32 s1, s0  }
0x8b: {  	[smem:$0x3FC3] =	sst s0  }
0x8c: {  	_ = 	snop  }
0x8d: {  	(tm) =	ssettm $0x1  }
0x8e: {  	s15 =	sld [smem:$0x3FFB];
	_ =	sdelay $0x3  }
0x8f: {  	_ =	strace s15  }
0x90: {  	s0 =	sld [smem:$0x3FFC];
	_ =	sdelay $0x3  }
0x91: {  	_ =	strace s0  }
0x92: {  	s0 =	sld [smem:$0x3FFD];
	_ =	sdelay $0x3  }
0x93: {  	_ =	strace s0  }
0x94: {  	_ =	strace $0x8FFFFFFF  }
0x95: {  	s16 =	sld [smem:$0x3FDB];
	_ =	sdelay $0x1  }
0x96: {  	s17 =	simm.s32 $_scs_section_size  }
0x97: {  	s2 =	simm.s32 $_size__tile_overlayer_lowered;
	s3 =	simm.s32 $_tile_overlayer_lowered  }
0x98: {  	s20 =	simm.s32 $0x1BFF;
	s19 =	sshll.u32 s3, $0x1;
	s0 =	sadd.s32 s17, s16  }
0x99: {  	s4 =	simm.s32 $0x0;
	s18 =	sshll.u32 s2, $0x1;
	s2 =	sadd.s32 s19, s0  }
0x9a: {  	[timem:s4], [sflag:s20] =	dma.local [hbm:s2], s18  }
0x9b: {  	_ =	swait.ge [sflag:s20], s18  }
0x9c: {  	s1 =	ssub.s32 $0x0, s18;
	[sflag:s20] =	ssyncset.done $0x0  }
0x9d: {  	[sflag:s20] =	ssyncadd.s32 s1;
	_ =	sdelay $0x1  }
0x9e: {  	s21 =	simm.s32 $0x1B8B  }
0x9f: {  	_ =	swait.ge [sflag:s21], $0x1  }
0xa0: {  	[sflag:s21] =	ssyncset.done $0x0  }
0xa1: {  	s23 =	simm.s32 $0x1B8E;
	s22 =	sld [smem:$0x3FFE];
	[sflag:s21] =	ssyncadd.s32 $0xFFFFFFFF  }
0xa2: {  	s24 =	simm.s32 $execute0_lowered;
	[smem:$0x3FD2] =	sst s23  }
0xa3: {  	s2 =	sshll.u32 s24, $0x1;
	_ =	strace $0x80000046;
	[dreg:$0x1] =	wrdreg $0xFFFFFFFF  }
0xa4: {  	s25 =	simm.s32 $_size_execute0_lowered;
	s0 =	sadd.s32 s0, s2;
	[dreg:$0x0] =	wrdreg $0x0  }
0xa5: {  	s2 =	sshll.u32 s25, $0x1;
	[dreg:$0x2] =	wrdreg s0  }
0xa6: {  	[dreg:$0x3] =	wrdreg s2  }
0xa7: {  	[dreg:$0x4] =	wrdreg $0xC0  }
0xa8: {  	_ =	task [dreg:s4], $0x5FFFF  }
0xa9: {  	[dreg:$0x1] =	wrdreg $0xFFFFFFFF  }
0xaa: {  	[dreg:$0x0] =	wrdreg $0x60  }
0xab: {  	[dreg:$0x2] =	wrdreg s22  }
0xac: {  	[dreg:$0x3] =	wrdreg $0x9  }
0xad: {  	_ =	task.clear_ibuf [dreg:s4], $0x4FFFF;
	_ =	strace $0x90000046  }
0xae: {  	s26 =	simm.s32 $0x9;
	_ =	strace $0x80000048  }
0xaf: {  	_ =	swait.ge [sflag:s26], $0x1  }
0xb0: {  	[sflag:s26] =	ssyncadd.s32 $0xFFFFFFFF  }
0xb1: {  	_ =	strace $0x90000048  }
0xb2: {  	_ =	sfence  }
0xb3: {  	s28 =	sld [smem:$0x0];
	_ =	sdelay $0x1  }
0xb4: {  	s29 =	srdreg.scid  }
0xb5: {  	s30 =	sshll.u32 s29, $0xD;
	s31 =	sshrl.u32 s29, $0x2  }
0xb6: {  	s1 =	sand.u32 $0x1, s29;
	s2 =	sand.u32 $0x4000, s30;
	s0 =	sadd.s32 s31, s28  }
0xb7: {  	s1 =	sor.u32 s2, s1;
	s0 =	sshll.u32 s0, $0x11  }
0xb8: {  	s0 =	sor.u32 s0, s1  }
0xb9: {  	s0 =	sadd.s32 $0x8F2B, s0  }
0xba: {  	[sflag:s0] =	ssyncadd.remote.s32 $0x1  }
0xbb: {  	_ =	sfence.sel $0xFFFF  }
0xbc: {  	[dreg:$0x0] =	wrdreg $0xFFFFFFFF;
	(pc) =	sbr.abs _section_cstart, $3  }
0xbd: {  	[dreg:$0x1] =	wrdreg $0xFFFFFFFF  }
0xbe: {  	_ =	task.clear_ibuf [dreg:s4], $0x2FFFF;
	_ =	strace $0x9FFFFFFF  }
0xbf: {  	(tm) =	ssettm $0x7FFFFFFF  }
tec
execute0_lowered:
.L_overlay_start_1:
0x0: {  	(tag) =	ssettag $0x1  }
0x1: {  	s0 =	stileid.u32  }
0x2: {  	s1 =	smin.u32 s0, $0x9  }
0x3: {  	s1 =	sadd.s32 s0, s1  }
0x4: {  	p0 =	slt.u32 s0, $0x9;
	s2 =	smul.u32 $0x500, s1;
	s1 =	simm.s32 $0xA00  }
0x5: {  	s1 =	simm.s32 @!p0 $0x500  }
0x6: {  	s1 =	sadd.s32 s1, s2  }
0x7: {  	s3 =	smin.u32 s1, $0x7D00  }
0x8: {  	s7 =	ssub.s32 s3, s2  }
0x9: {  	p0 =	sgt.s32 s7, $0x0  }
0xa: {  	s9 =	rddreg [dreg:$0x0];
	s11 =	simm.s32 $0x1;
	s7 =	simm.s32 @!p0 $0x0  }
0xb: {  	s6 =	simm.s32 $0x2;
	s31 =	simm.s32 $0x4;
	s4 =	smul.u32 $0xCCCD, s7  }
0xc: {  	s12 =	simm.s32 $0xFFFFFB00;
	s13 =	simm.s32 $0xFFFFFFFF;
	s17 =	simm.s32 $0x0  }
0xd: {  	s14 =	simm.s32 $0x0;
	s16 =	simm.s32 $0x0;
	s8 =	sshrl.u32 s4, $0x1A  }
0xe: {  	s1 =	rddreg [dreg:$0x1];
	_ =	strace $0x80000047;
	s10 =	smul.u32 $0x500, s8  }
.Ltmp0:
0xf: {  	s5 =	sadd.s32 $0x29A00, s9;
	[sflag:s11] =	ssyncpa.u1 $0x0;
	(pc) =	sbr.rel .LBB2_1-.Ltmp0, $4  }
0x10: {  	s15 =	smov.u32 s2;
	[sflag:s6] =	ssyncpa.u1 $0x0;
	p0 =	sne.s32 s7, s10  }
0x11: {  	s4 =	sadd.s32 $0x2AA00, s9;
	s7 =	simm.s32 $0x3;
	s11 =	simm.s32 @!p0 $0x0  }
0x12: {  	s9 =	sadd.s32 $0x3EA00, s9;
	[sflag:s7] =	ssyncpa.u1 $0x0;
	s8 =	sadd.s32 s8, s11  }
0x13: {  	v0 =	vlaneseq.u32;
	vm0 =	vmmov $0xffff;
	[sflag:s31] =	ssyncpa.u1 $0x0;
	s11 =	simm.s32 $0x0;
	s10 =	sadd.s32 $0x2, s8  }
.LBB2_7:
0x14: {  	s17 =	sadd.s32 $0x500, s15  }
0x15: {  	s19 =	smov.u32 s2;
	p1 =	slt.s32 s17, s3  }
0x16: {  	s19 =	smov.u32 @p1 s17;
	p1 =	sne.s32 s16, s10  }
.Ltmp1:
0x17: {  	p0 =	slt.u32 s16, $0x3;
	(pc) =	sbr.rel @!p1 .LBB2_8-.Ltmp1, $4  }
0x18: {  	s18 =	simm.s32 @!p0 $0x4  }
0x19: {  	s12 =	sadd.s32 $0x500, s12;
	s13 =	sadd.s32 $0x1, s13;
	_ =	swait.ge @!p0 [sflag:s18], $0x280  }
0x1a: {  	s17 =	smov.u32 s14;
	s16 =	sadd.s32 $0x1, s16;
	[sflag:s18] =	ssyncset.done @!p0 $0x0  }
0x1b: {  	s14 =	smov.u32 s15;
	s15 =	smov.u32 s19;
	[sflag:s18] =	ssyncadd.s32 @!p0 $0xFFFFFD80  }
.LBB2_1:
0x1c: {  	p0 =	sge.u32 s16, s8  }
0x1d: {  	s18 =	smulhi.u32 @!p0 $0xAAAAAAAB, s16;
	_ =	sdelay $0x1  }
0x1e: {  	s18 =	sshrl.u32 @!p0 s18, $0x1  }
0x1f: {  	s18 =	smul.u32 @!p0 $0x3, s18;
	_ =	sdelay $0x1  }
0x20: {  	s18 =	ssub.s32 @!p0 s16, s18  }
0x21: {  	s18 =	smul.u32 @!p0 $0x1400, s18  }
0x22: {  	s19 =	sshrl.u32 @!p0 s15, $0x3  }
0x23: {  	s20 =	sand.u32 @!p0 $0x7, s15;
	s19 =	sadd.s32 @!p0 s5, s19;
	s18 =	sshrl.u32 @!p0 s18, $0x2  }
0x24: {  	[tilespmem:s18], [sflag:$0x2] =	stream.linear.gather @!p0 [hbm4b:s19+s20], $0x500, $0x38;
	[tilespmem:$0x1E00] =	vst v63  }
0x25: {  	s20 =	sadd.s32 $0xFFFFFFFF, s16  }
0x26: {  	p0 =	sge.u32 s20, s8  }
.Ltmp2:
0x27: {  	_ = 	snop;
	(pc) =	sbr.rel @p0 .LBB2_5-.Ltmp2, $1  }
0x28: {  	_ =	sdelay $0x3  }
0x29: {  	s18 =	smulhi.u32 $0xAAAAAAAB, s13;
	_ =	sdelay $0x1  }
0x2a: {  	s18 =	sshrl.u32 s18, $0x1  }
0x2b: {  	s18 =	smul.u32 $0xFFFFC400, s18;
	_ =	sdelay $0x1  }
0x2c: {  	_ =	swait.ge [sflag:s6], $0x500;
	s18 =	sshra.s32 s18, $0x2  }
0x2d: {  	[sflag:s6] =	ssyncset.done $0x0;
	s22 =	sadd.s32 s18, s12  }
0x2e: {  	[sflag:s6] =	ssyncadd.s32 $0xFFFFFB00;
	(ifvalue) =	ssetifvalue $0x7FFFFFFF;
	v1 =	vld.msk [tilespmem:s22+$0x0 ss:$0x1], $0xffff;
	_ =	sdelay $0x3  }
0x2f: {  	s21 =	ssub.s32 $0x7D00, s14  }
0x30: {  	p0 =	slt.s32 s21, $0x500;
	v2 =	vshrl.u32 v1, $0x7  }
0x31: {  	s21 =	simm.s32 @!p0 $0x500;
	s18 =	sadd.s32 $0x10, s22;
	vm1 =	veq.s32 v1, $0x80000000;
	v1 =	vand.u32 $0x7F, v1;
	v2 =	vand.u32 $0x3FFF, v2  }
0x32: {  	p0 =	sgt.s32 s21, $0x0;
	s19 =	smov.u32 s21;
	v3 =	vsel vm1, $0xFFFFFFFF, v1;
	v1 =	vsel vm1, $0xFFFFFFFF, v2;
	v2 =	vld.msk [tilespmem:s18+$0x0 ss:$0x1], $0xffff  }
0x33: {  	s19 =	simm.s32 @!p0 $0x0;
	v4 =	vshll.u32 v3, $0xE;
	v6 =	vshll.u32 v3, $0x7;
	v5 =	vshll.u32 v1, $0x3  }
0x34: {  	s19 =	smin.u32 s19, $0x10;
	v4 =	vand.u32 $0xFFFE0000, v4;
	v1 =	vshll.u32 v1, $0x1;
	v5 =	vand.u32 $0xFFFFFC00, v5  }
0x35: {  	v4 =	vadd.s32 v4, v5;
	v5 =	vand.u32 $0x300, v6;
	v6 =	vmov s19  }
0x36: {  	v1 =	vand.u32 $0xFE, v1;
	v4 =	vor.u32 v5, v4;
	vm1 =	vgt.u32 v6, v0  }
0x37: {  	v1 =	vor.u32 v1, v4;
	vm2 =	veq.s32 v2, $0x80000000;
	v4 =	vshrl.u32 v2, $0x7  }
0x38: {  	v2 =	vand.u32 $0x7F, v2;
	v1 =	vshrl.u32 v1, $0x1;
	v4 =	vand.u32 $0x3FFF, v4  }
0x39: {  	s21 =	sadd.s32 $0xFFFFFFF0, s21;
	s19 =	sadd.s32 $0x10, s18;
	v5 =	vnsel vm1, $0x7FFFFFFF, v1;
	v1 =	vsel vm2, $0xFFFFFFFF, v2;
	v2 =	vsel vm2, $0xFFFFFFFF, v4  }
0x3a: {  	p0 =	sgt.s32 s21, $0x0;
	s23 =	smov.u32 s21;
	v3 =	vand.u32 $0x1, v3;
	v4 =	vld.msk [tilespmem:s19+$0x0 ss:$0x1], $0xffff;
	v6 =	vshll.u32 v1, $0xE;
	v7 =	vshll.u32 v2, $0x3  }
0x3b: {  	s23 =	simm.s32 @!p0 $0x0;
	v8 =	vshll.u32 v1, $0x7;
	v6 =	vand.u32 $0xFFFE0000, v6;
	v7 =	vand.u32 $0xFFFFFC00, v7  }
0x3c: {  	s20 =	sand.u32 $0x1, s20;
	s23 =	smin.u32 s23, $0x10;
	v2 =	vshll.u32 v2, $0x1;
	v6 =	vadd.s32 v6, v7;
	v7 =	vand.u32 $0x300, v8  }
0x3d: {  	p0 =	seq.s32 s20, $0x1;
	s20 =	simm.s32 $0x1400;
	[tilespmem:s22+$0x0] =	vst v3;
	v3 =	vmov s23;
	v2 =	vand.u32 $0xFE, v2;
	v6 =	vor.u32 v7, v6  }
0x3e: {  	s20 =	simm.s32 @!p0 $0xF00;
	(ifvalue) =	ssetifvalue $0x7FFFFFFF;
	vm2 =	vgt.u32 v3, v0;
	v2 =	vor.u32 v2, v6  }
0x3f: {  	[tilespmem:s20], [sflag:$0x3] =	stream.indirect_vreg.gather [hbm4b:s4+s11], $0x1, v5, vm0, $0x4038;
	vm1 =	veq.s32 v4, $0x80000000;
	v5 =	vshrl.u32 v4, $0x7;
	v2 =	vshrl.u32 v2, $0x1;
	[tilespmem:$0x1E00] =	vst v63  }
0x40: {  	s22 =	simm.s32 $0x20;
	s23 =	sadd.s32 $0x10, s19;
	v3 =	vand.u32 $0x7F, v4;
	v4 =	vand.u32 $0x3FFF, v5;
	v2 =	vnsel vm2, $0x7FFFFFFF, v2  }
.LBB2_3:
0x41: {  	v5 =	vld.msk [tilespmem:s23+$0x0 ss:$0x1], $0xffff;
	s22 =	sadd.s32 $0x10, s22;
	v3 =	vsel vm1, $0xFFFFFFFF, v3;
	v4 =	vsel vm1, $0xFFFFFFFF, v4;
	s21 =	sadd.s32 $0xFFFFFFF0, s21  }
0x42: {  	v8 =	vand.u32 $0x1, v1;
	p0 =	slt.u32 s22, $0x4F0;
	p1 =	sgt.s32 s21, $0x0;
	v6 =	vshll.u32 v3, $0xE;
	v7 =	vshll.u32 v4, $0x3;
	v1 =	vmovc v3;
	s24 =	smov.u32 s21  }
0x43: {  	s20 =	sadd.s32 $0x10, s20;
	s24 =	simm.s32 @!p1 $0x0;
	v3 =	vand.u32 $0xFFFE0000, v6;
	v6 =	vand.u32 $0xFFFFFC00, v7;
	v7 =	vshll.u32 v1, $0x7  }
.Ltmp3:
0x44: {  	v4 =	vshll.u32 v4, $0x1;
	s24 =	smin.u32 s24, $0x10;
	v3 =	vadd.s32 v3, v6;
	v6 =	vand.u32 $0x300, v7;
	[tilespmem:s18+$0x0] =	vst v8;
	(ifvalue) =	ssetifvalue $0x7FFFFFFF;
	(pc) =	sbr.rel @p0 .LBB2_3-.Ltmp3, $4  }
0x45: {  	v4 =	vand.u32 $0xFE, v4;
	v7 =	vmov s24;
	v3 =	vor.u32 v6, v3;
	[tilespmem:s20], [sflag:$0x3] =	stream.indirect_vreg.gather [hbm4b:s4+s11], $0x1, v2, vm0, $0x4038;
	[tilespmem:$0x1E00] =	vst v63  }
0x46: {  	s18 =	smov.u32 s19;
	s19 =	smov.u32 s23;
	vm2 =	vgt.u32 v7, v0;
	v2 =	vor.u32 v4, v3  }
0x47: {  	vm1 =	veq.s32 v5, $0x80000000;
	v4 =	vshrl.u32 v5, $0x7;
	v2 =	vshrl.u32 v2, $0x1  }
0x48: {  	s23 =	sadd.s32 $0x10, s23;
	v3 =	vand.u32 $0x7F, v5;
	v4 =	vand.u32 $0x3FFF, v4;
	v2 =	vnsel vm2, $0x7FFFFFFF, v2  }
0x49: {  	v3 =	vsel vm1, $0xFFFFFFFF, v3;
	v4 =	vsel vm1, $0xFFFFFFFF, v4  }
0x4a: {  	s21 =	sadd.s32 $0xFFFFFFF0, s21;
	v5 =	vshll.u32 v3, $0xE;
	v6 =	vshll.u32 v4, $0x3  }
0x4b: {  	p0 =	sgt.s32 s21, $0x0;
	v7 =	vshll.u32 v3, $0x7;
	v5 =	vand.u32 $0xFFFE0000, v5;
	v6 =	vand.u32 $0xFFFFFC00, v6  }
0x4c: {  	v4 =	vshll.u32 v4, $0x1;
	s21 =	simm.s32 @!p0 $0x0;
	v62 =	vand.u32 $0x300, v7;
	v5 =	vadd.s32 v5, v6  }
0x4d: {  	v4 =	vand.u32 $0xFE, v4;
	s21 =	smin.u32 s21, $0x10;
	v5 =	vor.u32 v62, v5  }
0x4e: {  	v63 =	vmov s21;
	v4 =	vor.u32 v4, v5  }
0x4f: {  	vm1 =	vgt.u32 v63, v0;
	v4 =	vshrl.u32 v4, $0x1  }
0x50: {  	v4 =	vnsel vm1, $0x7FFFFFFF, v4  }
0x51: {  	v1 =	vand.u32 $0x1, v1  }
0x52: {  	s31 =	sadd.s32 $0x10, s20;
	[tilespmem:s18+$0x0] =	vst v1;
	(ifvalue) =	ssetifvalue $0x7FFFFFFF  }
0x53: {  	v1 =	vand.u32 $0x1, v3;
	[tilespmem:s31], [sflag:$0x3] =	stream.indirect_vreg.gather [hbm4b:s4+s11], $0x1, v2, vm0, $0x4038;
	[tilespmem:$0x1E00] =	vst v63  }
0x54: {  	s18 =	sadd.s32 $0x10, s31;
	[tilespmem:s19+$0x0] =	vst v1;
	(ifvalue) =	ssetifvalue $0x7FFFFFFF  }
0x55: {  	[tilespmem:s18], [sflag:$0x3] =	stream.indirect_vreg.gather [hbm4b:s4+s11], $0x1, v4, vm0, $0x4038;
	[tilespmem:$0x1E00] =	vst v63  }
.LBB2_5:
0x56: {  	p0 =	slt.u32 s16, $0x2  }
0x57: {  	p1 =	sge.u32 @!p0 s16, s10  }
0x58: {  	p0 =	por p0, p1  }
.Ltmp4:
0x59: {  	_ = 	snop;
	(pc) =	sbr.rel @p0 .LBB2_7-.Ltmp4, $1  }
0x5a: {  	_ =	sdelay $0x3  }
0x5b: {  	s18 =	sadd.s32 $0xFFFFFFFE, s16  }
0x5c: {  	s19 =	smulhi.u32 $0xAAAAAAAB, s18;
	_ =	sdelay $0x1  }
0x5d: {  	s19 =	sshrl.u32 s19, $0x1  }
0x5e: {  	s19 =	smul.u32 $0x3, s19  }
0x5f: {  	s20 =	sand.u32 $0x1, s16  }
0x60: {  	_ =	swait.ge [sflag:s7], $0x500;
	s25 =	smul.u32 $0x1400, s20;
	s18 =	ssub.s32 s18, s19  }
0x61: {  	[sflag:s7] =	ssyncset.done $0x0;
	s21 =	smul.u32 $0x1400, s18  }
0x62: {  	[sflag:s7] =	ssyncadd.s32 $0xFFFFFB00;
	s26 =	sshrl.u32 s25, $0x2  }
0x63: {  	v1 =	vld [tilespmem:s26+$0xF00];
	s28 =	sshrl.u32 s21, $0x2  }
0x64: {  	v2 =	vld [tilespmem:s28+$0x0]  }
0x65: {  	v3 =	vld [tilespmem:s28+$0x80]  }
0x66: {  	v4 =	vld [tilespmem:s26+$0xF80];
	_ =	sdelay $0x3  }
0x67: {  	v2 =	vshll.u32 v2, $0x4;
	v3 =	vshll.u32 v3, $0x4  }
0x68: {  	s20 =	smul.u32 $0xA00, s20;
	v1 =	vshrl.u32 v1, v2;
	v2 =	vshrl.u32 v4, v3  }
0x69: {  	v1 =	vand.u32 $0xFFFF, v1;
	v2 =	vshll.u32 v2, $0x10  }
0x6a: {  	s20 =	sshrl.u32 s20, $0x2;
	v1 =	vor.u32 v1, v2  }
0x6b: {  	[tilespmem:s20+$0x1900] =	vst v1  }
0x6c: {  	v1 =	vld [tilespmem:s26+$0xF10]  }
0x6d: {  	v2 =	vld [tilespmem:s28+$0x10]  }
0x6e: {  	v3 =	vld [tilespmem:s28+$0x90]  }
0x6f: {  	v12 =	vld [tilespmem:s26+$0xF90];
	_ =	sdelay $0x2  }
0x70: {  	v5 =	vld [tilespmem:s26+$0x1000]  }
0x71: {  	v8 =	vld [tilespmem:s26+$0x1080];
	v2 =	vshll.u32 v2, $0x4;
	v3 =	vshll.u32 v3, $0x4  }
0x72: {  	v9 =	vld [tilespmem:s26+$0x1100];
	v1 =	vshrl.u32 v1, v2;
	v2 =	vshrl.u32 v12, v3  }
0x73: {  	v19 =	vld [tilespmem:s26+$0x1200];
	v1 =	vand.u32 $0xFFFF, v1;
	v2 =	vshll.u32 v2, $0x10  }
0x74: {  	v6 =	vld [tilespmem:s28+$0x100];
	v1 =	vor.u32 v1, v2  }
0x75: {  	v7 =	vld [tilespmem:s28+$0x180];
	[tilespmem:s20+$0x1910] =	vst v1  }
0x76: {  	v1 =	vld [tilespmem:s26+$0xF20]  }
0x77: {  	v2 =	vld [tilespmem:s28+$0x20]  }
0x78: {  	v3 =	vld [tilespmem:s28+$0xA0]  }
0x79: {  	v13 =	vld [tilespmem:s26+$0xFA0]  }
0x7a: {  	v24 =	vld [tilespmem:s26+$0x1280];
	v6 =	vshll.u32 v6, $0x4  }
0x7b: {  	v10 =	vld [tilespmem:s28+$0x200];
	v7 =	vshll.u32 v7, $0x4;
	v5 =	vshrl.u32 v5, v6  }
0x7c: {  	v11 =	vld [tilespmem:s28+$0x280];
	v18 =	vshrl.u32 v8, v7;
	v5 =	vand.u32 $0xFFFF, v5  }
0x7d: {  	v20 =	vld [tilespmem:s28+$0x300];
	v6 =	vshll.u32 v18, $0x10;
	v2 =	vshll.u32 v2, $0x4;
	v3 =	vshll.u32 v3, $0x4  }
0x7e: {  	v5 =	vor.u32 v5, v6;
	v12 =	vld [tilespmem:s26+$0x1180];
	v1 =	vshrl.u32 v1, v2;
	v2 =	vshrl.u32 v13, v3  }
0x7f: {  	v21 =	vld [tilespmem:s28+$0x380];
	[tilespmem:s20+$0x1980] =	vst v5;
	v1 =	vand.u32 $0xFFFF, v1;
	v2 =	vshll.u32 v2, $0x10  }
0x80: {  	v26 =	vld [tilespmem:s28+$0x110];
	v1 =	vor.u32 v1, v2  }
0x81: {  	v27 =	vld [tilespmem:s28+$0x190];
	[tilespmem:s20+$0x1920] =	vst v1  }
0x82: {  	v22 =	vshll.u32 v10, $0x4;
	v23 =	vshll.u32 v11, $0x4;
	v1 =	vld [tilespmem:s26+$0xF30]  }
0x83: {  	v5 =	vshrl.u32 v9, v22;
	v25 =	vshrl.u32 v12, v23;
	v2 =	vld [tilespmem:s28+$0x30]  }
0x84: {  	v5 =	vand.u32 $0xFFFF, v5;
	v9 =	vshll.u32 v25, $0x10;
	v3 =	vld [tilespmem:s28+$0xB0]  }
0x85: {  	v5 =	vor.u32 v5, v9;
	v14 =	vld [tilespmem:s26+$0xFB0]  }
0x86: {  	v6 =	vshll.u32 v21, $0x4;
	v28 =	vld [tilespmem:s26+$0x1090];
	[tilespmem:s20+$0x1A00] =	vst v5  }
0x87: {  	v29 =	vshll.u32 v20, $0x4;
	v6 =	vshrl.u32 v24, v6;
	v30 =	vld [tilespmem:s26+$0x1110]  }
0x88: {  	v6 =	vshll.u32 v6, $0x10;
	v5 =	vshrl.u32 v19, v29;
	v31 =	vld [tilespmem:s28+$0x210]  }
0x89: {  	v5 =	vand.u32 $0xFFFF, v5;
	v32 =	vld [tilespmem:s28+$0x290];
	v2 =	vshll.u32 v2, $0x4;
	v3 =	vshll.u32 v3, $0x4  }
0x8a: {  	v35 =	vld [tilespmem:s26+$0x1190];
	v5 =	vor.u32 v5, v6;
	v1 =	vshrl.u32 v1, v2;
	v2 =	vshrl.u32 v14, v3  }
0x8b: {  	v13 =	vld [tilespmem:s26+$0x1010];
	[tilespmem:s20+$0x1A80] =	vst v5;
	v1 =	vand.u32 $0xFFFF, v1;
	v2 =	vshll.u32 v2, $0x10  }
0x8c: {  	v38 =	vld [tilespmem:s26+$0x1210];
	v1 =	vor.u32 v1, v2  }
0x8d: {  	v39 =	vld [tilespmem:s28+$0x310];
	[tilespmem:s20+$0x1930] =	vst v1  }
0x8e: {  	v1 =	vld [tilespmem:s26+$0xF40]  }
0x8f: {  	v33 =	vshll.u32 v26, $0x4;
	v34 =	vshll.u32 v27, $0x4;
	v2 =	vld [tilespmem:s28+$0x40]  }
0x90: {  	v37 =	vshrl.u32 v28, v34;
	v36 =	vshrl.u32 v13, v33;
	v3 =	vld [tilespmem:s28+$0xC0]  }
0x91: {  	v6 =	vshll.u32 v37, $0x10;
	v5 =	vand.u32 $0xFFFF, v36;
	v15 =	vld [tilespmem:s26+$0xFC0]  }
0x92: {  	v40 =	vld [tilespmem:s28+$0x390];
	v42 =	vshll.u32 v32, $0x4;
	v5 =	vor.u32 v5, v6  }
0x93: {  	v43 =	vld [tilespmem:s26+$0x1290];
	v41 =	vshll.u32 v31, $0x4;
	v7 =	vshrl.u32 v35, v42;
	[tilespmem:s20+$0x1990] =	vst v5  }
0x94: {  	v7 =	vshll.u32 v7, $0x10;
	v5 =	vshrl.u32 v30, v41;
	v44 =	vld [tilespmem:s26+$0x1020]  }
0x95: {  	v45 =	vld [tilespmem:s28+$0x120];
	v5 =	vand.u32 $0xFFFF, v5;
	v2 =	vshll.u32 v2, $0x4;
	v3 =	vshll.u32 v3, $0x4  }
0x96: {  	v46 =	vld [tilespmem:s28+$0x1A0];
	v5 =	vor.u32 v5, v7;
	v1 =	vshrl.u32 v1, v2;
	v2 =	vshrl.u32 v15, v3  }
0x97: {  	v47 =	vld [tilespmem:s26+$0x10A0];
	[tilespmem:s20+$0x1A10] =	vst v5;
	v1 =	vand.u32 $0xFFFF, v1;
	v2 =	vshll.u32 v2, $0x10  }
0x98: {  	v49 =	vld [tilespmem:s26+$0x1120];
	v1 =	vor.u32 v1, v2  }
0x99: {  	v50 =	vld [tilespmem:s28+$0x220];
	[tilespmem:s20+$0x1940] =	vst v1  }
0x9a: {  	v1 =	vld [tilespmem:s26+$0xF50]  }
0x9b: {  	v48 =	vshll.u32 v39, $0x4;
	v6 =	vshll.u32 v40, $0x4;
	v2 =	vld [tilespmem:s28+$0x50]  }
0x9c: {  	v6 =	vshrl.u32 v43, v6;
	v5 =	vshrl.u32 v38, v48;
	v3 =	vld [tilespmem:s28+$0xD0]  }
0x9d: {  	v6 =	vshll.u32 v6, $0x10;
	v5 =	vand.u32 $0xFFFF, v5;
	v16 =	vld [tilespmem:s26+$0xFD0]  }
0x9e: {  	v51 =	vld [tilespmem:s28+$0x2A0];
	v5 =	vor.u32 v5, v6;
	v52 =	vshll.u32 v45, $0x4  }
0x9f: {  	v54 =	vld [tilespmem:s26+$0x11A0];
	v53 =	vshll.u32 v46, $0x4;
	[tilespmem:s20+$0x1A90] =	vst v5;
	v55 =	vshrl.u32 v44, v52  }
0xa0: {  	v56 =	vshrl.u32 v47, v53;
	v57 =	vld [tilespmem:s26+$0x1220];
	v5 =	vand.u32 $0xFFFF, v55  }
0xa1: {  	v58 =	vld [tilespmem:s28+$0x320];
	v6 =	vshll.u32 v56, $0x10;
	v2 =	vshll.u32 v2, $0x4;
	v3 =	vshll.u32 v3, $0x4  }
0xa2: {  	v59 =	vld [tilespmem:s28+$0x3A0];
	v5 =	vor.u32 v5, v6;
	v1 =	vshrl.u32 v1, v2;
	v2 =	vshrl.u32 v16, v3  }
0xa3: {  	v62 =	vld [tilespmem:s26+$0x12A0];
	[tilespmem:s20+$0x19A0] =	vst v5;
	v1 =	vand.u32 $0xFFFF, v1;
	v2 =	vshll.u32 v2, $0x10  }
0xa4: {  	v63 =	vld [tilespmem:s26+$0x1030];
	v1 =	vor.u32 v1, v2  }
0xa5: {  	v60 =	vshll.u32 v50, $0x4;
	v61 =	vshll.u32 v51, $0x4;
	v18 =	vld [tilespmem:s26+$0x10B0];
	[tilespmem:s20+$0x1950] =	vst v1  }
0xa6: {  	v5 =	vshrl.u32 v49, v60;
	v9 =	vshrl.u32 v54, v61;
	v1 =	vld [tilespmem:s26+$0xF60]  }
0xa7: {  	v5 =	vand.u32 $0xFFFF, v5;
	v9 =	vshll.u32 v9, $0x10;
	v2 =	vld [tilespmem:s28+$0x60]  }
0xa8: {  	v5 =	vor.u32 v5, v9;
	v3 =	vld [tilespmem:s28+$0xE0]  }
0xa9: {  	[tilespmem:s20+$0x1A20] =	vst v5;
	v17 =	vld [tilespmem:s26+$0xFE0]  }
0xaa: {  	v19 =	vshll.u32 v58, $0x4;
	v20 =	vld [tilespmem:s26+$0x1130]  }
0xab: {  	v6 =	vshll.u32 v59, $0x4;
	v5 =	vshrl.u32 v57, v19;
	v21 =	vld [tilespmem:s28+$0x230]  }
0xac: {  	v6 =	vshrl.u32 v62, v6;
	v5 =	vand.u32 $0xFFFF, v5;
	v22 =	vld [tilespmem:s28+$0x2B0]  }
0xad: {  	v6 =	vshll.u32 v6, $0x10;
	v16 =	vld [tilespmem:s28+$0x130];
	v2 =	vshll.u32 v2, $0x4;
	v3 =	vshll.u32 v3, $0x4  }
0xae: {  	v5 =	vor.u32 v5, v6;
	v1 =	vshrl.u32 v1, v2;
	v2 =	vshrl.u32 v17, v3;
	v17 =	vld [tilespmem:s28+$0x1B0]  }
0xaf: {  	v25 =	vld [tilespmem:s26+$0x11B0];
	[tilespmem:s20+$0x1AA0] =	vst v5  }
0xb0: {  	v28 =	vld [tilespmem:s26+$0x1230]  }
0xb1: {  	v29 =	vld [tilespmem:s28+$0x330];
	v1 =	vand.u32 $0xFFFF, v1;
	v2 =	vshll.u32 v2, $0x10  }
0xb2: {  	v30 =	vld [tilespmem:s28+$0x3B0];
	v1 =	vor.u32 v1, v2  }
0xb3: {  	v33 =	vld [tilespmem:s26+$0x12B0];
	v23 =	vshll.u32 v16, $0x4;
	[tilespmem:s20+$0x1960] =	vst v1;
	v24 =	vshll.u32 v17, $0x4  }
0xb4: {  	v26 =	vshrl.u32 v63, v23;
	v2 =	vld [tilespmem:s26+$0xF70];
	v27 =	vshrl.u32 v18, v24  }
0xb5: {  	v5 =	vand.u32 $0xFFFF, v26;
	v4 =	vld [tilespmem:s28+$0x70];
	v6 =	vshll.u32 v27, $0x10  }
0xb6: {  	v1 =	vld [tilespmem:s26+$0xFF0];
	v5 =	vor.u32 v5, v6  }
0xb7: {  	v31 =	vshll.u32 v21, $0x4;
	v32 =	vshll.u32 v22, $0x4;
	v3 =	vld [tilespmem:s28+$0xF0];
	[tilespmem:s20+$0x19B0] =	vst v5  }
0xb8: {  	v7 =	vshrl.u32 v25, v32;
	v5 =	vshrl.u32 v20, v31;
	v34 =	vld [tilespmem:s26+$0x1040]  }
0xb9: {  	v7 =	vshll.u32 v7, $0x10;
	v35 =	vld [tilespmem:s28+$0x140];
	v5 =	vand.u32 $0xFFFF, v5  }
0xba: {  	v36 =	vld [tilespmem:s28+$0x1C0];
	v5 =	vor.u32 v5, v7  }
0xbb: {  	v38 =	vshll.u32 v29, $0x4;
	v6 =	vshll.u32 v30, $0x4;
	v37 =	vld [tilespmem:s26+$0x10C0];
	[tilespmem:s20+$0x1A30] =	vst v5  }
0xbc: {  	v6 =	vshrl.u32 v33, v6;
	v5 =	vshrl.u32 v28, v38;
	v39 =	vld [tilespmem:s26+$0x1140]  }
0xbd: {  	v6 =	vshll.u32 v6, $0x10;
	v40 =	vld [tilespmem:s28+$0x240];
	v5 =	vand.u32 $0xFFFF, v5  }
0xbe: {  	v41 =	vld [tilespmem:s28+$0x2C0];
	v5 =	vor.u32 v5, v6  }
0xbf: {  	v44 =	vld [tilespmem:s26+$0x11C0];
	v42 =	vshll.u32 v35, $0x4;
	v43 =	vshll.u32 v36, $0x4;
	[tilespmem:s20+$0x1AB0] =	vst v5  }
0xc0: {  	v45 =	vshrl.u32 v34, v42;
	v46 =	vshrl.u32 v37, v43;
	v47 =	vld [tilespmem:s26+$0x1240]  }
0xc1: {  	v48 =	vld [tilespmem:s28+$0x340];
	v5 =	vand.u32 $0xFFFF, v45;
	v6 =	vshll.u32 v46, $0x10  }
0xc2: {  	v49 =	vld [tilespmem:s28+$0x3C0];
	v5 =	vor.u32 v5, v6  }
0xc3: {  	v52 =	vld [tilespmem:s26+$0x12C0];
	v50 =	vshll.u32 v40, $0x4;
	v51 =	vshll.u32 v41, $0x4;
	[tilespmem:s20+$0x19C0] =	vst v5  }
0xc4: {  	v5 =	vshrl.u32 v39, v50;
	v9 =	vshrl.u32 v44, v51;
	v53 =	vld [tilespmem:s26+$0x1050]  }
0xc5: {  	v54 =	vld [tilespmem:s28+$0x150];
	v5 =	vand.u32 $0xFFFF, v5;
	v9 =	vshll.u32 v9, $0x10  }
0xc6: {  	v55 =	vld [tilespmem:s28+$0x1D0];
	v5 =	vor.u32 v5, v9  }
0xc7: {  	v56 =	vld [tilespmem:s26+$0x10D0];
	v57 =	vshll.u32 v48, $0x4;
	v6 =	vshll.u32 v49, $0x4;
	[tilespmem:s20+$0x1A40] =	vst v5  }
0xc8: {  	v5 =	vshrl.u32 v47, v57;
	v6 =	vshrl.u32 v52, v6;
	v58 =	vld [tilespmem:s26+$0x1150]  }
0xc9: {  	v59 =	vld [tilespmem:s28+$0x250];
	v5 =	vand.u32 $0xFFFF, v5;
	v6 =	vshll.u32 v6, $0x10  }
0xca: {  	v60 =	vld [tilespmem:s28+$0x2D0];
	v5 =	vor.u32 v5, v6  }
0xcb: {  	v63 =	vld [tilespmem:s26+$0x11D0];
	v61 =	vshll.u32 v54, $0x4;
	v62 =	vshll.u32 v55, $0x4;
	[tilespmem:s20+$0x1AC0] =	vst v5  }
0xcc: {  	v15 =	vshrl.u32 v53, v61;
	v16 =	vshrl.u32 v56, v62;
	v17 =	vld [tilespmem:s26+$0x1250]  }
0xcd: {  	v18 =	vld [tilespmem:s28+$0x350];
	v5 =	vand.u32 $0xFFFF, v15;
	v6 =	vshll.u32 v16, $0x10  }
0xce: {  	v19 =	vld [tilespmem:s28+$0x3D0];
	v5 =	vor.u32 v5, v6  }
0xcf: {  	v22 =	vld [tilespmem:s26+$0x12D0];
	v20 =	vshll.u32 v59, $0x4;
	v21 =	vshll.u32 v60, $0x4;
	[tilespmem:s20+$0x19D0] =	vst v5  }
0xd0: {  	v5 =	vshrl.u32 v58, v20;
	v7 =	vshrl.u32 v63, v21;
	v23 =	vld [tilespmem:s26+$0x1060]  }
0xd1: {  	v24 =	vld [tilespmem:s28+$0x160];
	v5 =	vand.u32 $0xFFFF, v5;
	v7 =	vshll.u32 v7, $0x10  }
0xd2: {  	v25 =	vld [tilespmem:s28+$0x1E0];
	v5 =	vor.u32 v5, v7  }
0xd3: {  	v26 =	vld [tilespmem:s26+$0x10E0];
	v27 =	vshll.u32 v18, $0x4;
	v6 =	vshll.u32 v19, $0x4;
	[tilespmem:s20+$0x1A50] =	vst v5  }
0xd4: {  	v5 =	vshrl.u32 v17, v27;
	v6 =	vshrl.u32 v22, v6;
	v28 =	vld [tilespmem:s26+$0x1160]  }
0xd5: {  	v29 =	vld [tilespmem:s28+$0x260];
	v5 =	vand.u32 $0xFFFF, v5;
	v6 =	vshll.u32 v6, $0x10  }
0xd6: {  	v30 =	vld [tilespmem:s28+$0x2E0];
	v5 =	vor.u32 v5, v6  }
0xd7: {  	v33 =	vld [tilespmem:s26+$0x11E0];
	v31 =	vshll.u32 v24, $0x4;
	v32 =	vshll.u32 v25, $0x4;
	[tilespmem:s20+$0x1AD0] =	vst v5  }
0xd8: {  	v34 =	vshrl.u32 v23, v31;
	v35 =	vshrl.u32 v26, v32;
	v36 =	vld [tilespmem:s26+$0x1260]  }
0xd9: {  	v37 =	vld [tilespmem:s28+$0x360];
	v5 =	vand.u32 $0xFFFF, v34;
	v6 =	vshll.u32 v35, $0x10  }
0xda: {  	v38 =	vld [tilespmem:s28+$0x3E0];
	v5 =	vor.u32 v5, v6  }
0xdb: {  	v41 =	vld [tilespmem:s26+$0x12E0];
	v39 =	vshll.u32 v29, $0x4;
	v40 =	vshll.u32 v30, $0x4;
	[tilespmem:s20+$0x19E0] =	vst v5  }
0xdc: {  	v5 =	vshrl.u32 v28, v39;
	v9 =	vshrl.u32 v33, v40;
	v42 =	vld [tilespmem:s26+$0x1070]  }
0xdd: {  	v43 =	vld [tilespmem:s28+$0x170];
	v5 =	vand.u32 $0xFFFF, v5;
	v9 =	vshll.u32 v9, $0x10  }
0xde: {  	v44 =	vld [tilespmem:s26+$0x10F0];
	v5 =	vor.u32 v5, v9  }
0xdf: {  	v45 =	vld [tilespmem:s28+$0x1F0];
	v46 =	vshll.u32 v37, $0x4;
	v6 =	vshll.u32 v38, $0x4;
	[tilespmem:s20+$0x1A60] =	vst v5  }
0xe0: {  	v5 =	vshrl.u32 v36, v46;
	v6 =	vshrl.u32 v41, v6;
	v47 =	vld [tilespmem:s26+$0x1170]  }
0xe1: {  	v48 =	vld [tilespmem:s28+$0x270];
	v5 =	vand.u32 $0xFFFF, v5;
	v6 =	vshll.u32 v6, $0x10  }
0xe2: {  	v49 =	vld [tilespmem:s26+$0x11F0];
	v5 =	vor.u32 v5, v6  }
0xe3: {  	v50 =	vld [tilespmem:s28+$0x2F0];
	[tilespmem:s20+$0x1AE0] =	vst v5  }
0xe4: {  	v4 =	vshll.u32 v4, $0x4;
	v3 =	vshll.u32 v3, $0x4;
	v5 =	vld [tilespmem:s26+$0x1270]  }
0xe5: {  	v2 =	vshrl.u32 v2, v4;
	v1 =	vshrl.u32 v1, v3;
	v51 =	vld [tilespmem:s28+$0x370]  }
0xe6: {  	v2 =	vand.u32 $0xFFFF, v2;
	v3 =	vshll.u32 v43, $0x4;
	v9 =	vshll.u32 v45, $0x4;
	v52 =	vld [tilespmem:s28+$0x3F0]  }
0xe7: {  	v1 =	vshll.u32 v1, $0x10;
	v3 =	vshrl.u32 v42, v3;
	v9 =	vshrl.u32 v44, v9;
	v53 =	vld [tilespmem:s26+$0x12F0]  }
0xe8: {  	v1 =	vor.u32 v2, v1;
	v3 =	vand.u32 $0xFFFF, v3;
	v9 =	vshll.u32 v9, $0x10  }
0xe9: {  	v2 =	vor.u32 v3, v9;
	v3 =	vshll.u32 v48, $0x4;
	v6 =	vshll.u32 v50, $0x4  }
0xea: {  	v3 =	vshrl.u32 v47, v3;
	v6 =	vshrl.u32 v49, v6  }
0xeb: {  	v3 =	vand.u32 $0xFFFF, v3;
	v4 =	vshll.u32 v51, $0x4;
	v54 =	vshll.u32 v52, $0x4  }
0xec: {  	[tilespmem:s20+$0x1970] =	vst v1;
	v55 =	vshll.u32 v6, $0x10;
	v4 =	vshrl.u32 v5, v4;
	v1 =	vshrl.u32 v53, v54  }
0xed: {  	[tilespmem:s20+$0x19F0] =	vst v2;
	v2 =	vor.u32 v3, v55;
	v3 =	vand.u32 $0xFFFF, v4;
	v1 =	vshll.u32 v1, $0x10  }
0xee: {  	[tilespmem:s20+$0x1A70] =	vst v2;
	v1 =	vor.u32 v3, v1  }
0xef: {  	[tilespmem:s20+$0x1AF0] =	vst v1  }
0xf0: {  	v1 =	vld [tilespmem:s26+$0x1300]  }
0xf1: {  	v2 =	vld [tilespmem:s28+$0x400]  }
0xf2: {  	v3 =	vld [tilespmem:s28+$0x480]  }
0xf3: {  	v56 =	vld [tilespmem:s26+$0x1380];
	_ =	sdelay $0x3  }
0xf4: {  	v2 =	vshll.u32 v2, $0x4;
	v3 =	vshll.u32 v3, $0x4  }
0xf5: {  	v1 =	vshrl.u32 v1, v2;
	v2 =	vshrl.u32 v56, v3  }
0xf6: {  	v1 =	vand.u32 $0xFFFF, v1;
	v2 =	vshll.u32 v2, $0x10  }
0xf7: {  	v1 =	vor.u32 v1, v2  }
0xf8: {  	[tilespmem:s20+$0x1B00] =	vst v1  }
0xf9: {  	v1 =	vld [tilespmem:s26+$0x1310]  }
0xfa: {  	v2 =	vld [tilespmem:s28+$0x410]  }
0xfb: {  	v3 =	vld [tilespmem:s28+$0x490]  }
0xfc: {  	v57 =	vld [tilespmem:s26+$0x1390];
	_ =	sdelay $0x3  }
0xfd: {  	v2 =	vshll.u32 v2, $0x4;
	v3 =	vshll.u32 v3, $0x4  }
0xfe: {  	v1 =	vshrl.u32 v1, v2;
	v2 =	vshrl.u32 v57, v3  }
0xff: {  	v1 =	vand.u32 $0xFFFF, v1;
	v2 =	vshll.u32 v2, $0x10  }
0x100: {  	v1 =	vor.u32 v1, v2  }
0x101: {  	[tilespmem:s20+$0x1B10] =	vst v1  }
0x102: {  	v1 =	vld [tilespmem:s26+$0x1320]  }
0x103: {  	v2 =	vld [tilespmem:s28+$0x420]  }
0x104: {  	v3 =	vld [tilespmem:s28+$0x4A0]  }
0x105: {  	v58 =	vld [tilespmem:s26+$0x13A0];
	_ =	sdelay $0x3  }
0x106: {  	v2 =	vshll.u32 v2, $0x4;
	v3 =	vshll.u32 v3, $0x4  }
0x107: {  	v1 =	vshrl.u32 v1, v2;
	v2 =	vshrl.u32 v58, v3  }
0x108: {  	v1 =	vand.u32 $0xFFFF, v1;
	v2 =	vshll.u32 v2, $0x10  }
0x109: {  	v1 =	vor.u32 v1, v2  }
0x10a: {  	[tilespmem:s20+$0x1B20] =	vst v1  }
0x10b: {  	v1 =	vld [tilespmem:s26+$0x1330]  }
0x10c: {  	v2 =	vld [tilespmem:s28+$0x430]  }
0x10d: {  	v3 =	vld [tilespmem:s28+$0x4B0]  }
0x10e: {  	v59 =	vld [tilespmem:s26+$0x13B0];
	_ =	sdelay $0x3  }
0x10f: {  	v2 =	vshll.u32 v2, $0x4;
	v3 =	vshll.u32 v3, $0x4  }
0x110: {  	v1 =	vshrl.u32 v1, v2;
	v2 =	vshrl.u32 v59, v3  }
0x111: {  	v1 =	vand.u32 $0xFFFF, v1;
	v2 =	vshll.u32 v2, $0x10  }
0x112: {  	v1 =	vor.u32 v1, v2  }
0x113: {  	[tilespmem:s20+$0x1B30] =	vst v1  }
0x114: {  	v1 =	vld [tilespmem:s26+$0x1340]  }
0x115: {  	v2 =	vld [tilespmem:s28+$0x440]  }
0x116: {  	v3 =	vld [tilespmem:s28+$0x4C0]  }
0x117: {  	v60 =	vld [tilespmem:s26+$0x13C0];
	_ =	sdelay $0x3  }
0x118: {  	v2 =	vshll.u32 v2, $0x4;
	v3 =	vshll.u32 v3, $0x4  }
0x119: {  	v1 =	vshrl.u32 v1, v2;
	v2 =	vshrl.u32 v60, v3  }
0x11a: {  	v1 =	vand.u32 $0xFFFF, v1;
	v2 =	vshll.u32 v2, $0x10  }
0x11b: {  	v1 =	vor.u32 v1, v2  }
0x11c: {  	[tilespmem:s20+$0x1B40] =	vst v1  }
0x11d: {  	v1 =	vld [tilespmem:s26+$0x1350]  }
0x11e: {  	v2 =	vld [tilespmem:s28+$0x450]  }
0x11f: {  	v3 =	vld [tilespmem:s28+$0x4D0]  }
0x120: {  	v61 =	vld [tilespmem:s26+$0x13D0];
	_ =	sdelay $0x3  }
0x121: {  	v2 =	vshll.u32 v2, $0x4;
	v3 =	vshll.u32 v3, $0x4  }
0x122: {  	v1 =	vshrl.u32 v1, v2;
	v2 =	vshrl.u32 v61, v3  }
0x123: {  	v1 =	vand.u32 $0xFFFF, v1;
	v2 =	vshll.u32 v2, $0x10  }
0x124: {  	v1 =	vor.u32 v1, v2  }
0x125: {  	[tilespmem:s20+$0x1B50] =	vst v1  }
0x126: {  	v1 =	vld [tilespmem:s26+$0x1360]  }
0x127: {  	v2 =	vld [tilespmem:s28+$0x460]  }
0x128: {  	v3 =	vld [tilespmem:s28+$0x4E0]  }
0x129: {  	v62 =	vld [tilespmem:s26+$0x13E0];
	_ =	sdelay $0x3  }
0x12a: {  	v2 =	vshll.u32 v2, $0x4;
	v3 =	vshll.u32 v3, $0x4  }
0x12b: {  	v1 =	vshrl.u32 v1, v2;
	v2 =	vshrl.u32 v62, v3  }
0x12c: {  	v1 =	vand.u32 $0xFFFF, v1;
	v2 =	vshll.u32 v2, $0x10  }
0x12d: {  	v1 =	vor.u32 v1, v2  }
0x12e: {  	[tilespmem:s20+$0x1B60] =	vst v1  }
0x12f: {  	v1 =	vld [tilespmem:s26+$0x1370]  }
0x130: {  	v2 =	vld [tilespmem:s28+$0x470]  }
0x131: {  	v3 =	vld [tilespmem:s28+$0x4F0]  }
0x132: {  	v63 =	vld [tilespmem:s26+$0x13F0];
	_ =	sdelay $0x3  }
0x133: {  	v2 =	vshll.u32 v2, $0x4;
	v3 =	vshll.u32 v3, $0x4  }
.Ltmp5:
0x134: {  	v1 =	vshrl.u32 v1, v2;
	v2 =	vshrl.u32 v63, v3;
	(pc) =	sbr.rel .LBB2_7-.Ltmp5, $4  }
0x135: {  	v1 =	vand.u32 $0xFFFF, v1;
	v2 =	vshll.u32 v2, $0x10  }
0x136: {  	s29 =	sshrl.u32 s17, $0x1;
	s30 =	sshrl.u32 s17, $0x4;
	v1 =	vor.u32 v1, v2  }
0x137: {  	s17 =	sadd.s32 s9, s30;
	s31 =	sadd.s32 $0x1900, s20;
	s18 =	sand.u32 $0x7, s29;
	[tilespmem:s20+$0x1B70] =	vst v1  }
0x138: {  	[hbm4b:s17+s18] =	stream.linear.scatter [tilespmem:s31], [sflag:$0x4], $0x280, $0x38;
	[tilespmem:$0x1E00] =	vst v63  }
.LBB2_8:
0x139: {  	_ =	sfence.sel $0x180000  }
0x13a: {  	s2 =	simm.s32 $0x2;
	[bflag:$0x0] =	sbarrier.arrive $0xFFFF  }
0x13b: {  	s29 =	simm.s32 $0x3;
	[sflag:s2] =	ssyncpa.u1 $0x1  }
0x13c: {  	s30 =	simm.s32 $0x4;
	[sflag:s29] =	ssyncpa.u1 $0x1  }
0x13d: {  	s31 =	simm.s32 $0x1;
	[sflag:s30] =	ssyncpa.u1 $0x1  }
0x13e: {  	[sflag:s31] =	ssyncpa.u1 $0x1  }
0x13f: {  	p0 =	sne.s32 s0, $0x0;
	_ =	strace $0x90000047  }
0x140: {  	s0 =	sadd.s32 @!p0 $0x100000, s1;
	[bflag:$0x2] =	sbarrier.arrive $0xFFFF  }
0x141: {  	[sflag:s0] =	ssyncadd.tile.s32 @!p0 $0x1;
	_ =	shalt  }
.Lfunc_end2:
_tile_overlayer_lowered:
.L_overlay_start_2:
0x142: {  	(tag) =	ssettag $0x2  }
0x143: {  	s0 =	rddreg [dreg:$0x0];
	s2 =	stileid.u32  }
0x144: {  	s1 =	rddreg [dreg:$0x1];
	p0 =	sne.s32 s2, $0x0  }
0x145: {  	s3 =	rddreg [dreg:$0x2];
	[bflag:$0x3] =	sbarrier.arrive $0xFFFF;
	s2 =	simm.s32 @!p0 $0x1C01  }
0x146: {  	[timem:s3], [sflag:s2] =	dma.local @!p0 [hbm:s0], s1  }
0x147: {  	s0 =	simm.s32 @!p0 $0x1  }
0x148: {  	_ =	swait.ge @!p0 [sflag:s0], s1  }
0x149: {  	s1 =	ssub.s32 @!p0 $0x0, s1;
	[sflag:s0] =	ssyncset.done @!p0 $0x0  }
0x14a: {  	[sflag:s0] =	ssyncadd.s32 @!p0 s1  }
0x14b: {  	[bflag:$0x3] =	sbarrier.arrive $0xFFFF  }
0x14c: {  	_ =	shalt  }

// kernel: gather_offload_async_start.2
scs
__scs_entry_jumppad:
0x0: {  	(pc) =	sbr.rel $0x88, $3  }
0x1: {  	(tag) =	ssettag $0x0;
	lr =	simm.s32 $0x1  }
0x2: {  	[smem:$0x3F9C] =	sst lr;
	_ =	strace $0xD0000000  }
0x3: {  	_ = 	snop  }
0x4: {  	_ = 	snop  }
0x5: {  	_ = 	snop  }
0x6: {  	_ = 	snop  }
0x7: {  	_ = 	snop  }
__scs_overlays_trampoline_lowered:
0x8: {  	[smem:$0x3FAB] =	sst s0  }
0x9: {  	[smem:$0x3FAC] =	sst s1  }
0xa: {  	[smem:$0x3FAD] =	sst s2  }
0xb: {  	[smem:$0x3FAE] =	sst s3  }
0xc: {  	[smem:$0x3FAF] =	sst s4  }
0xd: {  	[smem:$0x3FB0] =	sst s5  }
0xe: {  	[smem:$0x3FB1] =	sst s6  }
0xf: {  	[smem:$0x3FB2] =	sst s7  }
0x10: {  	[smem:$0x3FB3] =	sst s8  }
0x11: {  	[smem:$0x3FB4] =	sst s9;
	s0 =	simm.s32 @!p0 $0x0  }
0x12: {  	s1 =	sld [smem:$0x3F9A];
	s0 =	simm.s32 @p0 $0x1  }
0x13: {  	[smem:$0x3FB5] =	sst s0;
	s0 =	simm.s32 @!p1 $0x0  }
0x14: {  	s2 =	sld [smem:$0x3F99];
	s0 =	simm.s32 @p1 $0x1  }
0x15: {  	[smem:$0x3FB6] =	sst s0;
	s0 =	simm.s32 @!p2 $0x0  }
0x16: {  	s3 =	sld [smem:$0x3FDB];
	s0 =	simm.s32 @p2 $0x1  }
0x17: {  	s4 =	simm.s32 $0x1BF5;
	[smem:$0x3FB8] =	sst s0  }
0x18: {  	s0 =	sld [smem:$0x3F9B];
	_ =	swait.ge [sflag:s4], $0x0  }
0x19: {  	s7 =	sld [smem:$0x3F9C]  }
0x1a: {  	s8 =	sadd.s32 $0xFFFFE003, lr  }
0x1b: {  	s9 =	sadd.s32 $0xFFFFFEF7, lr;
	s5 =	simm.s32 $0xFFFFFFFF;
	p2 =	slt.u32 s8, $0xFFFFF086  }
0x1c: {  	p1 =	slt.u32 s9, $0xF7A;
	s5 =	simm.s32 @!p2 $0x0  }
0x1d: {  	s5 =	simm.s32 @p1 $0x1;
	p0 =	seq.s32 s7, s2  }
0x1e: {  	s7 =	smul.u32 @!p0 $0xF7A, s2;
	p2 =	seq.s32 @!p0 s5, $0x0  }
0x1f: {  	s9 =	smul.u32 $0xF7A, s1;
	s8 =	simm.s32 @!p0 $0x1BF5;
	p2 =	por !p2, p0  }
0x20: {  	[sflag:s8] =	ssyncset.s32 @!p0 $0xFFFFF086;
	s6 =	sadd.s32 @!p0 s3, s7;
	s7 =	simm.s32 @!p0 $0x108  }
0x21: {  	s3 =	sadd.s32 s3, s9;
	s6 =	sadd.s32 @!p0 $0x88, s6;
	s7 =	simm.s32 @p2 $0x1082  }
0x22: {  	[simem:s7], [sflag:s8] =	dma.local @!p0 [hbm:s6], $0xF7A  }
0x23: {  	s9 =	sor.u32 $0xD0000000, s2;
	s6 =	simm.s32 $0x108;
	_ =	swait.ge @!p0 [sflag:s8], $0x0  }
0x24: {  	s3 =	sadd.s32 $0x88, s3;
	s6 =	simm.s32 @!p1 $0x1082;
	[sflag:s4] =	ssyncset.s32 $0xFFFFF086  }
0x25: {  	[simem:s6], [sflag:s4] =	dma.local [hbm:s3], $0xF7A  }
0x26: {  	[smem:$0x3F9C] =	sst s1;
	(tag) =	ssettag s2;
	_ =	strace s9  }
0x27: {  	s1 =	sld [smem:$0x3FAC]  }
0x28: {  	s2 =	sld [smem:$0x3FAD]  }
0x29: {  	s4 =	sld [smem:$0x3FAF]  }
0x2a: {  	p0 =	seq.s32 s5, $0x0;
	s5 =	sld [smem:$0x3FB0]  }
0x2b: {  	s6 =	sld [smem:$0x3FB1]  }
0x2c: {  	s7 =	sld [smem:$0x3FB2]  }
0x2d: {  	s3 =	simm.s32 $0x108;
	s8 =	sld [smem:$0x3FB3]  }
0x2e: {  	s3 =	simm.s32 @!p0 $0x1082;
	s9 =	sld [smem:$0x3FB4]  }
0x2f: {  	lr =	sadd.s32 s0, s3;
	s0 =	sld [smem:$0x3FAB]  }
0x30: {  	s3 =	sld [smem:$0x3FAE]  }
0x31: {  	[smem:$0x3FB7] =	sst s10  }
0x32: {  	s10 =	sld [smem:$0x3FB5];
	_ =	sdelay $0x3  }
0x33: {  	p0 =	seq.s32 s10, $0x1;
	s10 =	sld [smem:$0x3FB7];
	_ =	sdelay $0x3  }
0x34: {  	[smem:$0x3FB7] =	sst s10  }
0x35: {  	s10 =	sld [smem:$0x3FB6];
	_ =	sdelay $0x3  }
0x36: {  	p1 =	seq.s32 s10, $0x1;
	s10 =	sld [smem:$0x3FB7];
	_ =	sdelay $0x3  }
0x37: {  	[smem:$0x3FB7] =	sst s10  }
0x38: {  	s10 =	sld [smem:$0x3FB8]  }
0x39: {  	_ = 	snop;
	(pc) =	sbr.ind lr, $3  }
0x3a: {  	_ = 	snop  }
0x3b: {  	_ = 	snop  }
0x3c: {  	p2 =	seq.s32 s10, $0x1;
	s10 =	sld [smem:$0x3FB7]  }
0x3d: {  	_ =	shalt  }
0x3e: {  	_ =	shalt  }
0x3f: {  	_ =	shalt  }
0x40: {  	_ =	shalt  }
0x41: {  	_ =	shalt  }
0x42: {  	_ =	shalt  }
0x43: {  	_ =	shalt  }
0x44: {  	_ =	shalt  }
0x45: {  	_ =	shalt  }
0x46: {  	_ =	shalt  }
0x47: {  	_ =	shalt  }
0x48: {  	_ =	shalt  }
0x49: {  	_ =	shalt  }
0x4a: {  	_ =	shalt  }
0x4b: {  	_ =	shalt  }
0x4c: {  	_ =	shalt  }
0x4d: {  	_ =	shalt  }
0x4e: {  	_ =	shalt  }
0x4f: {  	_ =	shalt  }
0x50: {  	_ =	shalt  }
0x51: {  	_ =	shalt  }
0x52: {  	_ =	shalt  }
0x53: {  	_ =	shalt  }
0x54: {  	_ =	shalt  }
0x55: {  	_ =	shalt  }
0x56: {  	_ =	shalt  }
0x57: {  	_ =	shalt  }
0x58: {  	_ =	shalt  }
0x59: {  	_ =	shalt  }
0x5a: {  	_ =	shalt  }
0x5b: {  	_ =	shalt  }
0x5c: {  	_ =	shalt  }
0x5d: {  	_ =	shalt  }
0x5e: {  	_ =	shalt  }
0x5f: {  	_ =	shalt  }
0x60: {  	_ =	shalt  }
0x61: {  	_ =	shalt  }
0x62: {  	_ =	shalt  }
0x63: {  	_ =	shalt  }
0x64: {  	_ =	shalt  }
0x65: {  	_ =	shalt  }
0x66: {  	_ =	shalt  }
0x67: {  	_ =	shalt  }
0x68: {  	_ =	shalt  }
0x69: {  	_ =	shalt  }
0x6a: {  	_ =	shalt  }
0x6b: {  	_ =	shalt  }
0x6c: {  	_ =	shalt  }
0x6d: {  	_ =	shalt  }
0x6e: {  	_ =	shalt  }
0x6f: {  	_ =	shalt  }
0x70: {  	_ =	shalt  }
0x71: {  	_ =	shalt  }
0x72: {  	_ =	shalt  }
0x73: {  	_ =	shalt  }
0x74: {  	_ =	shalt  }
0x75: {  	_ =	shalt  }
0x76: {  	_ =	shalt  }
0x77: {  	_ =	shalt  }
0x78: {  	_ =	shalt  }
0x79: {  	_ =	shalt  }
0x7a: {  	_ =	shalt  }
0x7b: {  	_ =	shalt  }
0x7c: {  	_ =	shalt  }
0x7d: {  	_ =	shalt  }
0x7e: {  	_ =	shalt  }
0x7f: {  	_ =	shalt  }
0x80: {  	_ =	shalt  }
0x81: {  	_ =	shalt  }
0x82: {  	_ =	shalt  }
0x83: {  	_ =	shalt  }
0x84: {  	_ =	shalt  }
0x85: {  	_ =	shalt  }
0x86: {  	_ =	shalt  }
0x87: {  	_ =	shalt  }
.Lfunc_end0:
.L_simem_size_0:
called_computation.2_lowered:
.L_overlay_start_0:
0x88: {  	s2 =	sld [smem:$0x3FD9]  }
0x89: {  	s3 =	sld [smem:$0x3FFE];
	_ =	sdelay $0x1  }
0x8a: {  	s1 =	srdreg.scid  }
0x8b: {  	s0 =	sand.u32 $0x1, s1  }
0x8c: {  	s16 =	sshll.u32 s0, $0xA;
	s2 =	sadd.s32 s3, s2  }
0x8d: {  	s2 =	sadd.s32 s2, s16  }
0x8e: {  	[smem:$0x3FC3] =	sst s2  }
0x8f: {  	_ = 	snop  }
0x90: {  	(tm) =	ssettm $0x1  }
0x91: {  	s17 =	sld [smem:$0x3FFB];
	_ =	sdelay $0x3  }
0x92: {  	_ =	strace s17  }
0x93: {  	s2 =	sld [smem:$0x3FFC];
	_ =	sdelay $0x3  }
0x94: {  	_ =	strace s2  }
0x95: {  	s2 =	sld [smem:$0x3FFD];
	_ =	sdelay $0x3  }
0x96: {  	_ =	strace s2  }
0x97: {  	_ =	strace $0x8FFFFFFF  }
0x98: {  	s18 =	sld [smem:$0x3FDB];
	_ =	sdelay $0x1  }
0x99: {  	s19 =	simm.s32 $_scs_section_size  }
0x9a: {  	s4 =	simm.s32 $_size__tile_overlayer_lowered;
	s5 =	simm.s32 $_tile_overlayer_lowered  }
0x9b: {  	s22 =	simm.s32 $0x1BFF;
	s21 =	sshll.u32 s5, $0x1;
	s2 =	sadd.s32 s19, s18  }
0x9c: {  	s6 =	simm.s32 $0x0;
	s20 =	sshll.u32 s4, $0x1;
	s4 =	sadd.s32 s21, s2  }
0x9d: {  	[timem:s6], [sflag:s22] =	dma.local [hbm:s4], s20  }
0x9e: {  	_ =	swait.ge [sflag:s22], s20  }
0x9f: {  	s3 =	ssub.s32 $0x0, s20;
	[sflag:s22] =	ssyncset.done $0x0  }
0xa0: {  	[sflag:s22] =	ssyncadd.s32 s3;
	_ =	sdelay $0x1  }
0xa1: {  	s23 =	simm.s32 $0x1B8B  }
0xa2: {  	_ =	swait.ge [sflag:s23], $0x1  }
0xa3: {  	[sflag:s23] =	ssyncset.done $0x0  }
0xa4: {  	s25 =	simm.s32 $0x1B8E;
	s24 =	sld [smem:$0x3FFE];
	[sflag:s23] =	ssyncadd.s32 $0xFFFFFFFF  }
0xa5: {  	s26 =	simm.s32 $execute0_lowered;
	[smem:$0x3FD2] =	sst s25  }
0xa6: {  	s4 =	sshll.u32 s26, $0x1;
	_ =	strace $0x80000049;
	[dreg:$0x1] =	wrdreg $0xFFFFFFFF  }
0xa7: {  	s28 =	simm.s32 $_size_execute0_lowered;
	s2 =	sadd.s32 s2, s4;
	[dreg:$0x0] =	wrdreg $0x0  }
0xa8: {  	s4 =	sshll.u32 s28, $0x1;
	[dreg:$0x2] =	wrdreg s2  }
0xa9: {  	[dreg:$0x3] =	wrdreg s4  }
0xaa: {  	[dreg:$0x4] =	wrdreg $0xC0  }
0xab: {  	_ =	task [dreg:s6], $0x5FFFF  }
0xac: {  	[dreg:$0x1] =	wrdreg $0xFFFFFFFF  }
0xad: {  	[dreg:$0x0] =	wrdreg $0x60  }
0xae: {  	[dreg:$0x2] =	wrdreg s24  }
0xaf: {  	[dreg:$0x3] =	wrdreg $0x9  }
0xb0: {  	_ =	task.clear_ibuf [dreg:s6], $0x4FFFF;
	_ =	strace $0x90000049  }
0xb1: {  	s29 =	simm.s32 $0x9;
	_ =	strace $0x8000004B  }
0xb2: {  	_ =	swait.ge [sflag:s29], $0x1  }
0xb3: {  	[sflag:s29] =	ssyncadd.s32 $0xFFFFFFFF  }
0xb4: {  	_ =	strace $0x9000004B  }
0xb5: {  	_ =	sfence  }
0xb6: {  	s30 =	sld [smem:$0x0];
	_ =	sdelay $0x2  }
0xb7: {  	s31 =	sshll.u32 s1, $0xD;
	s1 =	sshrl.u32 s1, $0x2  }
0xb8: {  	s3 =	sand.u32 $0x4000, s31;
	s1 =	sadd.s32 s1, s30  }
0xb9: {  	s0 =	sor.u32 s3, s0;
	s1 =	sshll.u32 s1, $0x11  }
0xba: {  	s0 =	sor.u32 s1, s0  }
0xbb: {  	s0 =	sadd.s32 $0x8F2B, s0  }
0xbc: {  	[sflag:s0] =	ssyncadd.remote.s32 $0x1  }
0xbd: {  	_ =	sfence.sel $0xFFFF  }
0xbe: {  	[dreg:$0x0] =	wrdreg $0xFFFFFFFF;
	(pc) =	sbr.abs _section_cstart, $3  }
0xbf: {  	[dreg:$0x1] =	wrdreg $0xFFFFFFFF  }
0xc0: {  	_ =	task.clear_ibuf [dreg:s6], $0x2FFFF;
	_ =	strace $0x9FFFFFFF  }
0xc1: {  	(tm) =	ssettm $0x7FFFFFFF  }
tec
execute0_lowered:
.L_overlay_start_1:
0x0: {  	(tag) =	ssettag $0x1  }
0x1: {  	s0 =	stileid.u32  }
0x2: {  	s1 =	srdreg.scid;
	s2 =	rddreg [dreg:$0x0]  }
0x3: {  	s5 =	simm.s32 $0x1;
	s8 =	simm.s32 $0x1;
	s9 =	simm.s32 $0x3  }
0x4: {  	s10 =	simm.s32 $0x0;
	s3 =	sand.u32 $0x1, s1;
	s4 =	sshll.u32 s0, $0x1  }
0x5: {  	s13 =	simm.s32 $0x0;
	s12 =	simm.s32 $0x0;
	s6 =	sor.u32 s4, s3  }
0x6: {  	s1 =	rddreg [dreg:$0x1];
	_ =	strace $0x8000004A;
	s4 =	smul.u32 $0x320, s6  }
0x7: {  	s3 =	sadd.s32 $0x2D200, s2;
	p0 =	slt.u32 s6, $0x9;
	s6 =	simm.s32 $0x6400  }
.Ltmp0:
0x8: {  	s6 =	simm.s32 @!p0 $0x0;
	s7 =	ssub.s32 $0x7D00, s4;
	(pc) =	sbr.rel .LBB2_1-.Ltmp0, $4  }
0x9: {  	s8 =	simm.s32 @!p0 $0x0;
	p0 =	sne.s32 s7, s6;
	s7 =	simm.s32 $0x1  }
0xa: {  	[sflag:s5] =	ssyncpa.u1 $0x0;
	s6 =	simm.s32 $0x2;
	s7 =	simm.s32 @!p0 $0x0  }
0xb: {  	s11 =	smov.u32 s4;
	[sflag:s6] =	ssyncpa.u1 $0x0;
	s7 =	sadd.s32 s8, s7  }
0xc: {  	vm0 =	vmmov $0xffff;
	s8 =	sadd.s32 $0x2E200, s2;
	[sflag:s9] =	ssyncpa.u1 $0x0;
	s9 =	sadd.s32 $0x1, s7  }
.LBB2_4:
0xd: {  	vm1 =	veq.s32 v0, $0x80000000;
	v63 =	vand.u32 $0x7F, v0;
	v2 =	vand.u32 $0x3FFF, v2  }
0xe: {  	v0 =	vsel vm1, $0xFFFFFFFF, v63;
	v2 =	vsel vm1, $0xFFFFFFFF, v2  }
0xf: {  	v3 =	vshll.u32 v0, $0xE;
	v4 =	vshll.u32 v2, $0x3  }
0x10: {  	v0 =	vshll.u32 v0, $0x7;
	v3 =	vand.u32 $0xFFFE0000, v3;
	v4 =	vand.u32 $0xFFFFFC00, v4  }
0x11: {  	v0 =	vand.u32 $0x380, v0;
	v3 =	vadd.s32 v3, v4  }
0x12: {  	v2 =	vand.u32 $0x7F, v2;
	v0 =	vor.u32 v0, v3  }
0x13: {  	v0 =	vor.u32 v2, v0;
	_ =	sdelay $0x1  }
0x14: {  	(ifvalue) =	ssetifvalue $0x7FFFFFFF;
	s15 =	sadd.s32 $0x10, s15  }
0x15: {  	[tilespmem:s15], [sflag:$0x1] =	stream.indirect_vreg.gather [hbm4b:s2+s10], $0x1, v1, vm0, $0x4038;
	[tilespmem:$0xC80] =	vst v63  }
0x16: {  	(ifvalue) =	ssetifvalue $0x7FFFFFFF;
	s15 =	sadd.s32 $0x10, s15  }
0x17: {  	[tilespmem:s15], [sflag:$0x1] =	stream.indirect_vreg.gather [hbm4b:s2+s10], $0x1, v0, vm0, $0x4038;
	[tilespmem:$0xC80] =	vst v63  }
0x18: {  	_ =	swait.ge [sflag:s5], $0x320  }
0x19: {  	s30 =	sshrl.u32 s13, $0x3;
	[sflag:s5] =	ssyncset.done $0x0  }
0x1a: {  	s31 =	sand.u32 $0x7, s13;
	s15 =	sadd.s32 s8, s30;
	[sflag:s5] =	ssyncadd.s32 $0xFFFFFCE0  }
0x1b: {  	[hbm4b:s15+s31] =	stream.linear.scatter [tilespmem:s14], [sflag:$0x3], $0x320, $0x38;
	[tilespmem:$0xC80] =	vst v63  }
.LBB2_5:
0x1c: {  	s15 =	sadd.s32 $0x6400, s11  }
0x1d: {  	p1 =	sgt.s32 s15, $0x7CFF  }
0x1e: {  	s15 =	smov.u32 @p1 s4;
	p1 =	sne.s32 s12, s9  }
.Ltmp1:
0x1f: {  	p0 =	slt.u32 s12, $0x2;
	(pc) =	sbr.rel @!p1 .LBB2_6-.Ltmp1, $4  }
0x20: {  	s14 =	simm.s32 @!p0 $0x3  }
0x21: {  	_ =	swait.ge @!p0 [sflag:s14], $0x320  }
0x22: {  	s16 =	sadd.s32 $0x1, s12;
	s13 =	smov.u32 s11;
	[sflag:s14] =	ssyncset.done @!p0 $0x0  }
0x23: {  	s12 =	smov.u32 s16;
	s11 =	smov.u32 s15;
	[sflag:s14] =	ssyncadd.s32 @!p0 $0xFFFFFCE0  }
.LBB2_1:
0x24: {  	p0 =	sge.u32 s12, s7  }
0x25: {  	s14 =	sxor.u32 @!p0 $0x1, s12  }
0x26: {  	s14 =	smul.u32 @!p0 $0xC80, s14  }
0x27: {  	s31 =	sadd.s32 $0xFFFFFFFF, s12;
	s15 =	sshrl.u32 @!p0 s11, $0x3  }
0x28: {  	s16 =	sand.u32 @!p0 $0x7, s11;
	s15 =	sadd.s32 @!p0 s3, s15;
	s14 =	sshra.s32 @!p0 s14, $0x2  }
0x29: {  	[tilespmem:s14], [sflag:$0x2] =	stream.linear.gather @!p0 [hbm4b:s15+s16], $0x320, $0x38;
	[tilespmem:$0xC80] =	vst v63  }
0x2a: {  	p0 =	sge.u32 s31, s7  }
.Ltmp2:
0x2b: {  	_ = 	snop;
	(pc) =	sbr.rel @p0 .LBB2_5-.Ltmp2, $1  }
0x2c: {  	_ =	sdelay $0x3  }
0x2d: {  	s14 =	sand.u32 $0x1, s12  }
0x2e: {  	_ =	swait.ge [sflag:s6], $0x320;
	p0 =	seq.s32 s14, $0x1;
	s14 =	simm.s32 $0x320  }
0x2f: {  	[sflag:s6] =	ssyncset.done $0x0;
	s14 =	simm.s32 @!p0 $0x0  }
0x30: {  	[sflag:s6] =	ssyncadd.s32 $0xFFFFFCE0;
	(ifvalue) =	ssetifvalue $0x7FFFFFFF;
	v0 =	vld.msk [tilespmem:s14+$0x0 ss:$0x1], $0xffff;
	_ =	sdelay $0x3  }
0x31: {  	s15 =	sadd.s32 $0x10, s14  }
0x32: {  	v2 =	vld.msk [tilespmem:s15+$0x0 ss:$0x1], $0xffff;
	v1 =	vshrl.u32 v0, $0x7  }
0x33: {  	vm1 =	veq.s32 v0, $0x80000000;
	v0 =	vand.u32 $0x7F, v0;
	v1 =	vand.u32 $0x3FFF, v1  }
0x34: {  	v0 =	vsel vm1, $0xFFFFFFFF, v0;
	v1 =	vsel vm1, $0xFFFFFFFF, v1  }
0x35: {  	v3 =	vshll.u32 v0, $0xE;
	v4 =	vshll.u32 v1, $0x3  }
0x36: {  	v0 =	vshll.u32 v0, $0x7;
	v3 =	vand.u32 $0xFFFE0000, v3;
	v4 =	vand.u32 $0xFFFFFC00, v4  }
0x37: {  	vm1 =	veq.s32 v2, $0x80000000;
	v0 =	vand.u32 $0x380, v0;
	v3 =	vadd.s32 v3, v4  }
0x38: {  	v1 =	vand.u32 $0x7F, v1;
	v0 =	vor.u32 v0, v3;
	v3 =	vshrl.u32 v2, $0x7  }
0x39: {  	s15 =	sadd.s32 $0x10, s15;
	v2 =	vand.u32 $0x7F, v2;
	v1 =	vor.u32 v1, v0;
	v3 =	vand.u32 $0x3FFF, v3  }
0x3a: {  	v0 =	vld.msk [tilespmem:s15+$0x0 ss:$0x1], $0xffff;
	v2 =	vsel vm1, $0xFFFFFFFF, v2;
	v3 =	vsel vm1, $0xFFFFFFFF, v3  }
0x3b: {  	v63 =	vshll.u32 v2, $0xE;
	v5 =	vshll.u32 v3, $0x3  }
0x3c: {  	v2 =	vshll.u32 v2, $0x7;
	v4 =	vand.u32 $0xFFFE0000, v63;
	v5 =	vand.u32 $0xFFFFFC00, v5  }
0x3d: {  	s14 =	sadd.s32 $0x640, s14;
	(ifvalue) =	ssetifvalue $0x7FFFFFFF;
	v2 =	vand.u32 $0x380, v2;
	v4 =	vadd.s32 v4, v5  }
0x3e: {  	[tilespmem:s14], [sflag:$0x1] =	stream.indirect_vreg.gather [hbm4b:s2+s10], $0x1, v1, vm0, $0x4038;
	v1 =	vand.u32 $0x7F, v3;
	v3 =	vor.u32 v2, v4;
	[tilespmem:$0xC80] =	vst v63  }
0x3f: {  	s16 =	simm.s32 $0x20;
	s17 =	sadd.s32 $0x10, s15;
	s15 =	smov.u32 s14;
	v2 =	vshrl.u32 v0, $0x7;
	v1 =	vor.u32 v1, v3  }
.LBB2_3:
0x40: {  	s16 =	sadd.s32 $0x10, s16;
	vm1 =	veq.s32 v0, $0x80000000;
	v3 =	vand.u32 $0x7F, v0;
	v0 =	vld.msk [tilespmem:s17+$0x0 ss:$0x1], $0xffff;
	v2 =	vand.u32 $0x3FFF, v2  }
0x41: {  	p0 =	slt.u32 s16, $0x310;
	v3 =	vsel vm1, $0xFFFFFFFF, v3;
	v2 =	vsel vm1, $0xFFFFFFFF, v2  }
.Ltmp3:
0x42: {  	v4 =	vshll.u32 v3, $0xE;
	v5 =	vshll.u32 v2, $0x3;
	(pc) =	sbr.rel @p0 .LBB2_3-.Ltmp3, $4  }
0x43: {  	s15 =	sadd.s32 $0x10, s15;
	v3 =	vshll.u32 v3, $0x7;
	v4 =	vand.u32 $0xFFFE0000, v4;
	v5 =	vand.u32 $0xFFFFFC00, v5;
	(ifvalue) =	ssetifvalue $0x7FFFFFFF  }
0x44: {  	v3 =	vand.u32 $0x380, v3;
	v4 =	vadd.s32 v4, v5;
	[tilespmem:s15], [sflag:$0x1] =	stream.indirect_vreg.gather [hbm4b:s2+s10], $0x1, v1, vm0, $0x4038;
	[tilespmem:$0xC80] =	vst v63  }
0x45: {  	v1 =	vand.u32 $0x7F, v2;
	v3 =	vor.u32 v3, v4  }
0x46: {  	s17 =	sadd.s32 $0x10, s17;
	v2 =	vshrl.u32 v0, $0x7;
	v1 =	vor.u32 v1, v3  }
.Ltmp4:
0x47: {  	_ = 	snop;
	(pc) =	sbr.rel .LBB2_4-.Ltmp4, $1  }
0x48: {  	_ =	sdelay $0x3  }
.LBB2_6:
0x49: {  	_ =	sfence.sel $0x180000  }
0x4a: {  	s2 =	simm.s32 $0x2;
	[bflag:$0x0] =	sbarrier.arrive $0xFFFF  }
0x4b: {  	s30 =	simm.s32 $0x3;
	[sflag:s2] =	ssyncpa.u1 $0x1  }
0x4c: {  	s31 =	simm.s32 $0x1;
	[sflag:s30] =	ssyncpa.u1 $0x1  }
0x4d: {  	[sflag:s31] =	ssyncpa.u1 $0x1  }
0x4e: {  	p0 =	sne.s32 s0, $0x0;
	_ =	strace $0x9000004A  }
0x4f: {  	s0 =	sadd.s32 @!p0 $0x100000, s1;
	[bflag:$0x2] =	sbarrier.arrive $0xFFFF  }
0x50: {  	[sflag:s0] =	ssyncadd.tile.s32 @!p0 $0x1;
	_ =	shalt  }
.Lfunc_end2:
_tile_overlayer_lowered:
.L_overlay_start_2:
0x51: {  	(tag) =	ssettag $0x2  }
0x52: {  	s0 =	rddreg [dreg:$0x0];
	s2 =	stileid.u32  }
0x53: {  	s1 =	rddreg [dreg:$0x1];
	p0 =	sne.s32 s2, $0x0  }
0x54: {  	s3 =	rddreg [dreg:$0x2];
	[bflag:$0x3] =	sbarrier.arrive $0xFFFF;
	s2 =	simm.s32 @!p0 $0x1C01  }
0x55: {  	[timem:s3], [sflag:s2] =	dma.local @!p0 [hbm:s0], s1  }
0x56: {  	s0 =	simm.s32 @!p0 $0x1  }
0x57: {  	_ =	swait.ge @!p0 [sflag:s0], s1  }
0x58: {  	s1 =	ssub.s32 @!p0 $0x0, s1;
	[sflag:s0] =	ssyncset.done @!p0 $0x0  }
0x59: {  	[sflag:s0] =	ssyncadd.s32 @!p0 s1  }
0x5a: {  	[bflag:$0x3] =	sbarrier.arrive $0xFFFF  }
0x5b: {  	_ =	shalt  }

// kernel: gather_offload_async_start
scs
__scs_entry_jumppad:
0x0: {  	(pc) =	sbr.rel $0x88, $3  }
0x1: {  	(tag) =	ssettag $0x0;
	lr =	simm.s32 $0x1  }
0x2: {  	[smem:$0x3F9C] =	sst lr;
	_ =	strace $0xD0000000  }
0x3: {  	_ = 	snop  }
0x4: {  	_ = 	snop  }
0x5: {  	_ = 	snop  }
0x6: {  	_ = 	snop  }
0x7: {  	_ = 	snop  }
__scs_overlays_trampoline_lowered:
0x8: {  	[smem:$0x3FAB] =	sst s0  }
0x9: {  	[smem:$0x3FAC] =	sst s1  }
0xa: {  	[smem:$0x3FAD] =	sst s2  }
0xb: {  	[smem:$0x3FAE] =	sst s3  }
0xc: {  	[smem:$0x3FAF] =	sst s4  }
0xd: {  	[smem:$0x3FB0] =	sst s5  }
0xe: {  	[smem:$0x3FB1] =	sst s6  }
0xf: {  	[smem:$0x3FB2] =	sst s7  }
0x10: {  	[smem:$0x3FB3] =	sst s8  }
0x11: {  	[smem:$0x3FB4] =	sst s9;
	s0 =	simm.s32 @!p0 $0x0  }
0x12: {  	s1 =	sld [smem:$0x3F9A];
	s0 =	simm.s32 @p0 $0x1  }
0x13: {  	[smem:$0x3FB5] =	sst s0;
	s0 =	simm.s32 @!p1 $0x0  }
0x14: {  	s2 =	sld [smem:$0x3F99];
	s0 =	simm.s32 @p1 $0x1  }
0x15: {  	[smem:$0x3FB6] =	sst s0;
	s0 =	simm.s32 @!p2 $0x0  }
0x16: {  	s3 =	sld [smem:$0x3FDB];
	s0 =	simm.s32 @p2 $0x1  }
0x17: {  	s4 =	simm.s32 $0x1BF5;
	[smem:$0x3FB8] =	sst s0  }
0x18: {  	s0 =	sld [smem:$0x3F9B];
	_ =	swait.ge [sflag:s4], $0x0  }
0x19: {  	s7 =	sld [smem:$0x3F9C]  }
0x1a: {  	s8 =	sadd.s32 $0xFFFFE003, lr  }
0x1b: {  	s9 =	sadd.s32 $0xFFFFFEF7, lr;
	s5 =	simm.s32 $0xFFFFFFFF;
	p2 =	slt.u32 s8, $0xFFFFF086  }
0x1c: {  	p1 =	slt.u32 s9, $0xF7A;
	s5 =	simm.s32 @!p2 $0x0  }
0x1d: {  	s5 =	simm.s32 @p1 $0x1;
	p0 =	seq.s32 s7, s2  }
0x1e: {  	s7 =	smul.u32 @!p0 $0xF7A, s2;
	p2 =	seq.s32 @!p0 s5, $0x0  }
0x1f: {  	s9 =	smul.u32 $0xF7A, s1;
	s8 =	simm.s32 @!p0 $0x1BF5;
	p2 =	por !p2, p0  }
0x20: {  	[sflag:s8] =	ssyncset.s32 @!p0 $0xFFFFF086;
	s6 =	sadd.s32 @!p0 s3, s7;
	s7 =	simm.s32 @!p0 $0x108  }
0x21: {  	s3 =	sadd.s32 s3, s9;
	s6 =	sadd.s32 @!p0 $0x88, s6;
	s7 =	simm.s32 @p2 $0x1082  }
0x22: {  	[simem:s7], [sflag:s8] =	dma.local @!p0 [hbm:s6], $0xF7A  }
0x23: {  	s9 =	sor.u32 $0xD0000000, s2;
	s6 =	simm.s32 $0x108;
	_ =	swait.ge @!p0 [sflag:s8], $0x0  }
0x24: {  	s3 =	sadd.s32 $0x88, s3;
	s6 =	simm.s32 @!p1 $0x1082;
	[sflag:s4] =	ssyncset.s32 $0xFFFFF086  }
0x25: {  	[simem:s6], [sflag:s4] =	dma.local [hbm:s3], $0xF7A  }
0x26: {  	[smem:$0x3F9C] =	sst s1;
	(tag) =	ssettag s2;
	_ =	strace s9  }
0x27: {  	s1 =	sld [smem:$0x3FAC]  }
0x28: {  	s2 =	sld [smem:$0x3FAD]  }
0x29: {  	s4 =	sld [smem:$0x3FAF]  }
0x2a: {  	p0 =	seq.s32 s5, $0x0;
	s5 =	sld [smem:$0x3FB0]  }
0x2b: {  	s6 =	sld [smem:$0x3FB1]  }
0x2c: {  	s7 =	sld [smem:$0x3FB2]  }
0x2d: {  	s3 =	simm.s32 $0x108;
	s8 =	sld [smem:$0x3FB3]  }
0x2e: {  	s3 =	simm.s32 @!p0 $0x1082;
	s9 =	sld [smem:$0x3FB4]  }
0x2f: {  	lr =	sadd.s32 s0, s3;
	s0 =	sld [smem:$0x3FAB]  }
0x30: {  	s3 =	sld [smem:$0x3FAE]  }
0x31: {  	[smem:$0x3FB7] =	sst s10  }
0x32: {  	s10 =	sld [smem:$0x3FB5];
	_ =	sdelay $0x3  }
0x33: {  	p0 =	seq.s32 s10, $0x1;
	s10 =	sld [smem:$0x3FB7];
	_ =	sdelay $0x3  }
0x34: {  	[smem:$0x3FB7] =	sst s10  }
0x35: {  	s10 =	sld [smem:$0x3FB6];
	_ =	sdelay $0x3  }
0x36: {  	p1 =	seq.s32 s10, $0x1;
	s10 =	sld [smem:$0x3FB7];
	_ =	sdelay $0x3  }
0x37: {  	[smem:$0x3FB7] =	sst s10  }
0x38: {  	s10 =	sld [smem:$0x3FB8]  }
0x39: {  	_ = 	snop;
	(pc) =	sbr.ind lr, $3  }
0x3a: {  	_ = 	snop  }
0x3b: {  	_ = 	snop  }
0x3c: {  	p2 =	seq.s32 s10, $0x1;
	s10 =	sld [smem:$0x3FB7]  }
0x3d: {  	_ =	shalt  }
0x3e: {  	_ =	shalt  }
0x3f: {  	_ =	shalt  }
0x40: {  	_ =	shalt  }
0x41: {  	_ =	shalt  }
0x42: {  	_ =	shalt  }
0x43: {  	_ =	shalt  }
0x44: {  	_ =	shalt  }
0x45: {  	_ =	shalt  }
0x46: {  	_ =	shalt  }
0x47: {  	_ =	shalt  }
0x48: {  	_ =	shalt  }
0x49: {  	_ =	shalt  }
0x4a: {  	_ =	shalt  }
0x4b: {  	_ =	shalt  }
0x4c: {  	_ =	shalt  }
0x4d: {  	_ =	shalt  }
0x4e: {  	_ =	shalt  }
0x4f: {  	_ =	shalt  }
0x50: {  	_ =	shalt  }
0x51: {  	_ =	shalt  }
0x52: {  	_ =	shalt  }
0x53: {  	_ =	shalt  }
0x54: {  	_ =	shalt  }
0x55: {  	_ =	shalt  }
0x56: {  	_ =	shalt  }
0x57: {  	_ =	shalt  }
0x58: {  	_ =	shalt  }
0x59: {  	_ =	shalt  }
0x5a: {  	_ =	shalt  }
0x5b: {  	_ =	shalt  }
0x5c: {  	_ =	shalt  }
0x5d: {  	_ =	shalt  }
0x5e: {  	_ =	shalt  }
0x5f: {  	_ =	shalt  }
0x60: {  	_ =	shalt  }
0x61: {  	_ =	shalt  }
0x62: {  	_ =	shalt  }
0x63: {  	_ =	shalt  }
0x64: {  	_ =	shalt  }
0x65: {  	_ =	shalt  }
0x66: {  	_ =	shalt  }
0x67: {  	_ =	shalt  }
0x68: {  	_ =	shalt  }
0x69: {  	_ =	shalt  }
0x6a: {  	_ =	shalt  }
0x6b: {  	_ =	shalt  }
0x6c: {  	_ =	shalt  }
0x6d: {  	_ =	shalt  }
0x6e: {  	_ =	shalt  }
0x6f: {  	_ =	shalt  }
0x70: {  	_ =	shalt  }
0x71: {  	_ =	shalt  }
0x72: {  	_ =	shalt  }
0x73: {  	_ =	shalt  }
0x74: {  	_ =	shalt  }
0x75: {  	_ =	shalt  }
0x76: {  	_ =	shalt  }
0x77: {  	_ =	shalt  }
0x78: {  	_ =	shalt  }
0x79: {  	_ =	shalt  }
0x7a: {  	_ =	shalt  }
0x7b: {  	_ =	shalt  }
0x7c: {  	_ =	shalt  }
0x7d: {  	_ =	shalt  }
0x7e: {  	_ =	shalt  }
0x7f: {  	_ =	shalt  }
0x80: {  	_ =	shalt  }
0x81: {  	_ =	shalt  }
0x82: {  	_ =	shalt  }
0x83: {  	_ =	shalt  }
0x84: {  	_ =	shalt  }
0x85: {  	_ =	shalt  }
0x86: {  	_ =	shalt  }
0x87: {  	_ =	shalt  }
.Lfunc_end0:
.L_simem_size_0:
called_computation_lowered:
.L_overlay_start_0:
0x88: {  	s2 =	sld [smem:$0x3FD9]  }
0x89: {  	s3 =	sld [smem:$0x3FFE];
	_ =	sdelay $0x1  }
0x8a: {  	s1 =	srdreg.scid  }
0x8b: {  	s0 =	sand.u32 $0x1, s1  }
0x8c: {  	s16 =	sshll.u32 s0, $0xA;
	s2 =	sadd.s32 s3, s2  }
0x8d: {  	s2 =	sadd.s32 s2, s16  }
0x8e: {  	[smem:$0x3FC3] =	sst s2  }
0x8f: {  	_ = 	snop  }
0x90: {  	(tm) =	ssettm $0x1  }
0x91: {  	s17 =	sld [smem:$0x3FFB];
	_ =	sdelay $0x3  }
0x92: {  	_ =	strace s17  }
0x93: {  	s2 =	sld [smem:$0x3FFC];
	_ =	sdelay $0x3  }
0x94: {  	_ =	strace s2  }
0x95: {  	s2 =	sld [smem:$0x3FFD];
	_ =	sdelay $0x3  }
0x96: {  	_ =	strace s2  }
0x97: {  	_ =	strace $0x8FFFFFFF  }
0x98: {  	s18 =	sld [smem:$0x3FDB];
	_ =	sdelay $0x1  }
0x99: {  	s19 =	simm.s32 $_scs_section_size  }
0x9a: {  	s4 =	simm.s32 $_size__tile_overlayer_lowered;
	s5 =	simm.s32 $_tile_overlayer_lowered  }
0x9b: {  	s22 =	simm.s32 $0x1BFF;
	s21 =	sshll.u32 s5, $0x1;
	s2 =	sadd.s32 s19, s18  }
0x9c: {  	s6 =	simm.s32 $0x0;
	s20 =	sshll.u32 s4, $0x1;
	s4 =	sadd.s32 s21, s2  }
0x9d: {  	[timem:s6], [sflag:s22] =	dma.local [hbm:s4], s20  }
0x9e: {  	_ =	swait.ge [sflag:s22], s20  }
0x9f: {  	s3 =	ssub.s32 $0x0, s20;
	[sflag:s22] =	ssyncset.done $0x0  }
0xa0: {  	[sflag:s22] =	ssyncadd.s32 s3;
	_ =	sdelay $0x1  }
0xa1: {  	s23 =	simm.s32 $0x1B8B  }
0xa2: {  	_ =	swait.ge [sflag:s23], $0x1  }
0xa3: {  	[sflag:s23] =	ssyncset.done $0x0  }
0xa4: {  	s25 =	simm.s32 $0x1B8E;
	s24 =	sld [smem:$0x3FFE];
	[sflag:s23] =	ssyncadd.s32 $0xFFFFFFFF  }
0xa5: {  	s26 =	simm.s32 $execute0_lowered;
	[smem:$0x3FD2] =	sst s25  }
0xa6: {  	s4 =	sshll.u32 s26, $0x1;
	_ =	strace $0x8000004C;
	[dreg:$0x1] =	wrdreg $0xFFFFFFFF  }
0xa7: {  	s28 =	simm.s32 $_size_execute0_lowered;
	s2 =	sadd.s32 s2, s4;
	[dreg:$0x0] =	wrdreg $0x0  }
0xa8: {  	s4 =	sshll.u32 s28, $0x1;
	[dreg:$0x2] =	wrdreg s2  }
0xa9: {  	[dreg:$0x3] =	wrdreg s4  }
0xaa: {  	[dreg:$0x4] =	wrdreg $0xC0  }
0xab: {  	_ =	task [dreg:s6], $0x5FFFF  }
0xac: {  	[dreg:$0x1] =	wrdreg $0xFFFFFFFF  }
0xad: {  	[dreg:$0x0] =	wrdreg $0x60  }
0xae: {  	[dreg:$0x2] =	wrdreg s24  }
0xaf: {  	[dreg:$0x3] =	wrdreg $0x9  }
0xb0: {  	_ =	task.clear_ibuf [dreg:s6], $0x4FFFF;
	_ =	strace $0x9000004C  }
0xb1: {  	s29 =	simm.s32 $0x9;
	_ =	strace $0x8000004E  }
0xb2: {  	_ =	swait.ge [sflag:s29], $0x1  }
0xb3: {  	[sflag:s29] =	ssyncadd.s32 $0xFFFFFFFF  }
0xb4: {  	_ =	strace $0x9000004E  }
0xb5: {  	_ =	sfence  }
0xb6: {  	s30 =	sld [smem:$0x0];
	_ =	sdelay $0x2  }
0xb7: {  	s31 =	sshll.u32 s1, $0xD;
	s1 =	sshrl.u32 s1, $0x2  }
0xb8: {  	s3 =	sand.u32 $0x4000, s31;
	s1 =	sadd.s32 s1, s30  }
0xb9: {  	s0 =	sor.u32 s3, s0;
	s1 =	sshll.u32 s1, $0x11  }
0xba: {  	s0 =	sor.u32 s1, s0  }
0xbb: {  	s0 =	sadd.s32 $0x8F2B, s0  }
0xbc: {  	[sflag:s0] =	ssyncadd.remote.s32 $0x1  }
0xbd: {  	_ =	sfence.sel $0xFFFF  }
0xbe: {  	[dreg:$0x0] =	wrdreg $0xFFFFFFFF;
	(pc) =	sbr.abs _section_cstart, $3  }
0xbf: {  	[dreg:$0x1] =	wrdreg $0xFFFFFFFF  }
0xc0: {  	_ =	task.clear_ibuf [dreg:s6], $0x2FFFF;
	_ =	strace $0x9FFFFFFF  }
0xc1: {  	(tm) =	ssettm $0x7FFFFFFF  }
tec
execute0_lowered:
.L_overlay_start_1:
0x0: {  	(tag) =	ssettag $0x1  }
0x1: {  	s0 =	srdreg.scid  }
0x2: {  	s1 =	sshll.u32 s0, $0x4  }
0x3: {  	s0 =	stileid.u32;
	s1 =	sand.u32 $0x10, s1  }
0x4: {  	s1 =	sor.u32 s0, s1  }
0x5: {  	s2 =	smul.u32 $0x3, s1  }
0x6: {  	s3 =	smin.u32 s1, $0x4  }
0x7: {  	s2 =	sadd.s32 s3, s2  }
0x8: {  	p0 =	slt.u32 s1, $0x4;
	s1 =	simm.s32 $0x500;
	s2 =	smul.u32 $0x140, s2  }
0x9: {  	s1 =	simm.s32 @!p0 $0x3C0  }
0xa: {  	s1 =	sadd.s32 s1, s2  }
0xb: {  	s3 =	smin.u32 s1, $0x7D00  }
0xc: {  	s7 =	ssub.s32 s3, s2  }
0xd: {  	p0 =	sgt.s32 s7, $0x0  }
0xe: {  	s7 =	simm.s32 @!p0 $0x0  }
0xf: {  	s31 =	smul.u32 $0xCCCD, s7  }
0x10: {  	s9 =	rddreg [dreg:$0x0];
	s6 =	simm.s32 $0x1;
	s11 =	simm.s32 $0x3  }
0x11: {  	s13 =	simm.s32 $0x0;
	s12 =	simm.s32 $0x0;
	s8 =	sshrl.u32 s31, $0x18  }
0x12: {  	s4 =	sadd.s32 $0x3F200, s9;
	s5 =	sadd.s32 $0x2C200, s9;
	s10 =	smul.u32 $0x140, s8  }
.Ltmp0:
0x13: {  	s9 =	sadd.s32 $0x13E200, s9;
	s1 =	rddreg [dreg:$0x1];
	(pc) =	sbr.rel .LBB2_1-.Ltmp0, $4  }
0x14: {  	_ =	strace $0x8000004D;
	p0 =	sne.s32 s7, s10;
	s10 =	simm.s32 $0x1  }
0x15: {  	[sflag:s6] =	ssyncpa.u1 $0x0;
	s7 =	simm.s32 $0x2;
	s10 =	simm.s32 @!p0 $0x0  }
0x16: {  	[sflag:s7] =	ssyncpa.u1 $0x0;
	p0 =	por $0x0, $0x0;
	s8 =	sadd.s32 s8, s10  }
0x17: {  	vm0 =	vmmov $0xff;
	vm1 =	vcmask $0x3F20;
	[sflag:s11] =	ssyncpa.u1 $0x0;
	s11 =	smov.u32 s2;
	s10 =	sadd.s32 $0x1, s8  }
.LBB2_6:
0x18: {  	[hbm:s17] =	stream.linear.scatter [tilespmem:s14], [sflag:$0x3], $0x400, $0x38;
	[tilespmem:$0x14280] =	vst v63  }
.LBB2_7:
0x19: {  	s13 =	sadd.s32 $0x140, s11  }
0x1a: {  	s15 =	smov.u32 s2;
	p2 =	slt.s32 s13, s3  }
0x1b: {  	s15 =	smov.u32 @p2 s13;
	p2 =	sne.s32 s12, s10  }
.Ltmp1:
0x1c: {  	p1 =	slt.u32 s12, $0x2;
	(pc) =	sbr.rel @!p2 .LBB2_8-.Ltmp1, $4  }
0x1d: {  	s14 =	simm.s32 @!p1 $0x3  }
0x1e: {  	s16 =	sadd.s32 $0x1, s12;
	_ =	swait.ge @!p1 [sflag:s14], $0xA000  }
0x1f: {  	p0 =	por !p0, !p0;
	s13 =	smov.u32 s11;
	[sflag:s14] =	ssyncset.done @!p1 $0x0  }
0x20: {  	s12 =	smov.u32 s16;
	s11 =	smov.u32 s15;
	[sflag:s14] =	ssyncadd.s32 @!p1 $0xFFFF6000  }
.LBB2_1:
0x21: {  	p1 =	sge.u32 s12, s8  }
0x22: {  	s14 =	sxor.u32 @!p1 $0xFFFFFFFF, s12  }
0x23: {  	s14 =	sand.u32 @!p1 $0x1, s14  }
0x24: {  	s14 =	smul.u32 @!p1 $0x500, s14  }
0x25: {  	s31 =	sadd.s32 $0xFFFFFFFF, s12;
	s15 =	sshrl.u32 @!p1 s11, $0x3  }
0x26: {  	s16 =	sand.u32 @!p1 $0x7, s11;
	s15 =	sadd.s32 @!p1 s5, s15;
	s14 =	sshrl.u32 @!p1 s14, $0x2  }
0x27: {  	[tilespmem:s14], [sflag:$0x2] =	stream.linear.gather @!p1 [hbm4b:s15+s16], $0x140, $0x38;
	[tilespmem:$0x14280] =	vst v63  }
0x28: {  	p1 =	sge.u32 s31, s8  }
.Ltmp2:
0x29: {  	_ = 	snop;
	(pc) =	sbr.rel @p1 .LBB2_7-.Ltmp2, $1  }
0x2a: {  	_ =	sdelay $0x3  }
0x2b: {  	s14 =	simm.s32 $0x1  }
0x2c: {  	s14 =	simm.s32 @!p0 $0x0  }
0x2d: {  	s15 =	smul.u32 $0x500, s14  }
0x2e: {  	_ =	swait.ge [sflag:s7], $0x140  }
0x2f: {  	[sflag:s7] =	ssyncset.done $0x0;
	s16 =	sshrl.u32 s15, $0x2  }
0x30: {  	[sflag:s7] =	ssyncadd.s32 $0xFFFFFEC0;
	s15 =	sadd.s32 $0x0, s16  }
0x31: {  	v0 =	vld.msk [tilespmem:s15+$0x0 ss:$0x1], $0xffff;
	_ =	sdelay $0x4  }
0x32: {  	v1 =	vand.u32 $0x3, v0;
	v2 =	vshll.u32 v0, $0x5  }
0x33: {  	vm2 =	veq.s32 v0, $0x80000000;
	v0 =	vmul.u32 $0x1FE000, v1;
	v1 =	vand.u32 $0x1FFF80, v2  }
0x34: {  	v1 =	vsel vm2, $0xFFFFFF80, v1  }
0x35: {  	v0 =	vsel vm2, $0xFFE02000, v0;
	v2 =	vand.u32 $0xFFFFFC00, v1  }
0x36: {  	v1 =	vand.u32 $0x380, v1;
	v0 =	vadd.s32 v0, v2  }
0x37: {  	v0 =	vor.u32 v1, v0  }
0x38: {  	v0 =	vshrl.u32 v0, $0x3  }
0x39: {  	s14 =	smul.u32 $0x28000, s14;
	_ =	sdelay $0x1  }
0x3a: {  	s14 =	sshrl.u32 s14, $0x2  }
0x3b: {  	s14 =	sor.u32 $0x280, s14  }
0x3c: {  	[tilespmem:s14], [sflag:$0x1] =	stream.indirect_vreg.gather [hbm:s4], $0x80, v0, vm0, $0x38;
	[tilespmem:$0x14280] =	vst v63  }
0x3d: {  	s17 =	sadd.s32 $0x10, s16;
	s15 =	sadd.s32 $0x400, s14  }
0x3e: {  	[tilespmem:s15], [sflag:$0x1] =	stream.indirect_vreg.gather [hbm:s4], $0x80, v0, vm1, $0x38;
	[tilespmem:$0x14280] =	vst v63  }
0x3f: {  	s18 =	simm.s32 $0x80;
	v0 =	vld.msk [tilespmem:s17+$0x0 ss:$0x1], $0xffff;
	s17 =	smov.u32 s14  }
.LBB2_3:
0x40: {  	p1 =	sne.s32 s18, $0x4C0;
	_ =	sdelay $0x4  }
0x41: {  	v1 =	vand.u32 $0x3, v0;
	v2 =	vshll.u32 v0, $0x5  }
0x42: {  	vm2 =	veq.s32 v0, $0x80000000;
	v0 =	vmul.u32 $0x1FE000, v1;
	v1 =	vand.u32 $0x1FFF80, v2  }
0x43: {  	v1 =	vsel vm2, $0xFFFFFF80, v1  }
0x44: {  	v0 =	vsel vm2, $0xFFE02000, v0;
	v2 =	vand.u32 $0xFFFFFC00, v1  }
0x45: {  	v1 =	vand.u32 $0x380, v1;
	v0 =	vadd.s32 v0, v2  }
0x46: {  	v0 =	vor.u32 v1, v0  }
0x47: {  	v0 =	vshrl.u32 v0, $0x3;
	_ =	sdelay $0x3  }
.Ltmp3:
0x48: {  	s19 =	sshra.s32 s18, $0x2;
	s17 =	sadd.s32 $0x800, s17;
	(pc) =	sbr.rel @p1 .LBB2_3-.Ltmp3, $4  }
0x49: {  	[tilespmem:s17], [sflag:$0x1] =	stream.indirect_vreg.gather [hbm:s4], $0x80, v0, vm0, $0x38;
	[tilespmem:$0x14280] =	vst v63  }
0x4a: {  	s19 =	sadd.s32 s19, s16;
	s20 =	sadd.s32 $0x400, s17  }
0x4b: {  	[tilespmem:s20], [sflag:$0x1] =	stream.indirect_vreg.gather [hbm:s4], $0x80, v0, vm1, $0x38;
	[tilespmem:$0x14280] =	vst v63  }
0x4c: {  	s18 =	sadd.s32 $0x40, s18;
	v0 =	vld.msk [tilespmem:s19+$0x0 ss:$0x1], $0xffff  }
0x4d: {  	_ =	sdelay $0x3  }
0x4e: {  	v1 =	vand.u32 $0x3, v0;
	v2 =	vshll.u32 v0, $0x5  }
0x4f: {  	vm2 =	veq.s32 v0, $0x80000000;
	v61 =	vmul.u32 $0x1FE000, v1;
	v62 =	vand.u32 $0x1FFF80, v2  }
0x50: {  	v1 =	vsel vm2, $0xFFFFFF80, v62  }
0x51: {  	v0 =	vsel vm2, $0xFFE02000, v61;
	v63 =	vand.u32 $0xFFFFFC00, v1  }
0x52: {  	v1 =	vand.u32 $0x380, v1;
	v0 =	vadd.s32 v0, v63  }
0x53: {  	v0 =	vor.u32 v1, v0  }
0x54: {  	v0 =	vshrl.u32 v0, $0x3;
	_ =	sdelay $0x3  }
0x55: {  	s16 =	sadd.s32 $0x800, s17  }
0x56: {  	[tilespmem:s16], [sflag:$0x1] =	stream.indirect_vreg.gather [hbm:s4], $0x80, v0, vm0, $0x38;
	[tilespmem:$0x14280] =	vst v63  }
0x57: {  	s16 =	sadd.s32 $0x400, s16  }
0x58: {  	[tilespmem:s16], [sflag:$0x1] =	stream.indirect_vreg.gather [hbm:s4], $0x80, v0, vm1, $0x38;
	[tilespmem:$0x14280] =	vst v63  }
0x59: {  	s13 =	sshll.u32 s13, $0x4;
	_ =	swait.ge [sflag:s6], $0xA000  }
0x5a: {  	s13 =	sadd.s32 s13, s9;
	[sflag:s6] =	ssyncset.done $0x0  }
0x5b: {  	s17 =	sadd.s32 $0x0, s13;
	s16 =	simm.s32 $0x80;
	[sflag:s6] =	ssyncadd.s32 $0xFFFF6000  }
.LBB2_5:
0x5c: {  	[hbm:s17] =	stream.linear.scatter [tilespmem:s14], [sflag:$0x3], $0x400, $0x38;
	[tilespmem:$0x14280] =	vst v63  }
0x5d: {  	s17 =	smov.u32 s16;
	s14 =	smov.u32 s15;
	p1 =	sne.s32 s16, $0x1380  }
.Ltmp4:
0x5e: {  	s16 =	sadd.s32 $0x80, s16;
	(pc) =	sbr.rel @p1 .LBB2_5-.Ltmp4, $2  }
0x5f: {  	_ =	sdelay $0x2  }
0x60: {  	s15 =	sadd.s32 $0x400, s15;
	s17 =	sadd.s32 s17, s13  }
.Ltmp5:
0x61: {  	_ = 	snop;
	(pc) =	sbr.rel .LBB2_6-.Ltmp5, $1  }
0x62: {  	_ =	sdelay $0x3  }
.LBB2_8:
0x63: {  	_ =	sfence.sel $0x180000  }
0x64: {  	s2 =	simm.s32 $0x2;
	[bflag:$0x0] =	sbarrier.arrive $0xFFFF  }
0x65: {  	s30 =	simm.s32 $0x3;
	[sflag:s2] =	ssyncpa.u1 $0x1  }
0x66: {  	s31 =	simm.s32 $0x1;
	[sflag:s30] =	ssyncpa.u1 $0x1  }
0x67: {  	[sflag:s31] =	ssyncpa.u1 $0x1  }
0x68: {  	p0 =	sne.s32 s0, $0x0;
	_ =	strace $0x9000004D  }
0x69: {  	s0 =	sadd.s32 @!p0 $0x100000, s1;
	[bflag:$0x2] =	sbarrier.arrive $0xFFFF  }
0x6a: {  	[sflag:s0] =	ssyncadd.tile.s32 @!p0 $0x1;
	_ =	shalt  }
.Lfunc_end2:
_tile_overlayer_lowered:
.L_overlay_start_2:
0x6b: {  	(tag) =	ssettag $0x2  }
0x6c: {  	s0 =	rddreg [dreg:$0x0];
	s2 =	stileid.u32  }
0x6d: {  	s1 =	rddreg [dreg:$0x1];
	p0 =	sne.s32 s2, $0x0  }
0x6e: {  	s3 =	rddreg [dreg:$0x2];
	[bflag:$0x3] =	sbarrier.arrive $0xFFFF;
	s2 =	simm.s32 @!p0 $0x1C01  }
0x6f: {  	[timem:s3], [sflag:s2] =	dma.local @!p0 [hbm:s0], s1  }
0x70: {  	s0 =	simm.s32 @!p0 $0x1  }
0x71: {  	_ =	swait.ge @!p0 [sflag:s0], s1  }
0x72: {  	s1 =	ssub.s32 @!p0 $0x0, s1;
	[sflag:s0] =	ssyncset.done @!p0 $0x0  }
0x73: {  	[sflag:s0] =	ssyncadd.s32 @!p0 s1  }
0x74: {  	[bflag:$0x3] =	sbarrier.arrive $0xFFFF  }
0x75: {  	_ =	shalt  }

</sc_bundles>
